<compile_context>
chip_gen: v7x
topology: tpu7x:2x2x1
jax: 0.10.2.dev20260603
libtpu: 0.0.44.dev20260713+nightly
codegen_flags: <defaults>
</compile_context>

<pallas_src>
import functools

import jax
import jax.numpy as jnp
from jax import lax
from jax.experimental import pallas as pl
from jax.experimental.pallas import tpu as pltpu
from jax.experimental.pallas import tpu_sc as plsc

V, M, N = 50000, 512, 16384
NC, NS, LANES = 2, 16, 16
NW = NC * NS
B_PER_W = N // NW
CHUNK = 16
NCHUNK = B_PER_W // CHUNK
MV = M // LANES
NBUF = 6


def _sc_body(eig_hbm, table_hbm, idx_hbm, ls_hbm, var_hbm, out_hbm,
             idx_v, s_v, eig_v, ls_s, var_s, bufs, gsem, ssem):
    cid = lax.axis_index("c")
    sid = lax.axis_index("s")
    wid = sid * NC + cid
    base = wid * B_PER_W

    pltpu.sync_copy(idx_hbm.at[pl.ds(base, B_PER_W)], idx_v)

    def gather(c, buf_row0):
        pltpu.async_copy(table_hbm.at[idx_v.at[pl.ds(c * CHUNK, CHUNK)]],
                         bufs.at[pl.ds(buf_row0, CHUNK)], gsem)

    def chunk_wait(sem):
        pltpu.make_async_copy(out_hbm.at[pl.ds(0, CHUNK)],
                              bufs.at[pl.ds(0, CHUNK)], sem).wait()

    for k in range(NBUF - 1):
        gather(k, k * CHUNK)

    pltpu.sync_copy(eig_hbm, eig_v)
    pltpu.sync_copy(ls_hbm, ls_s.at[pl.ds(0, 1)])
    pltpu.sync_copy(var_hbm, var_s.at[pl.ds(0, 1)])

    lsv = jnp.full((LANES,), ls_s[...][0], dtype=jnp.float32)
    var = jnp.full((LANES,), var_s[...][0], dtype=jnp.float32)
    coef = -0.5 / (lsv * lsv)

    def s_body(j, carry):
        sl = pl.ds(j * LANES, LANES)
        s_v[sl] = var * jnp.exp(eig_v[sl] * coef)
        return carry
    lax.fori_loop(0, MV, s_body, 0)

    def chunk_body(c, carry):
        row0 = lax.rem(c, NBUF) * CHUNK
        chunk_wait(gsem)

        s_regs = [s_v[pl.ds(j * LANES, LANES)] for j in range(MV)]

        def row_body(r, rcarry):
            for j in range(MV):
                sl = pl.ds(j * LANES, LANES)
                bufs[row0 + r, sl] = bufs[row0 + r, sl] * s_regs[j]
            return rcarry
        lax.fori_loop(0, CHUNK, row_body, 0)

        pltpu.async_copy(bufs.at[pl.ds(row0, CHUNK)],
                         out_hbm.at[pl.ds(base + c * CHUNK, CHUNK)], ssem)

        @pl.when(jnp.logical_and(c >= 1, c + (NBUF - 1) < NCHUNK))
        def _wait_prev_scatter():
            chunk_wait(ssem)

        @pl.when(c + (NBUF - 1) < NCHUNK)
        def _prefetch():
            gather(c + (NBUF - 1), lax.rem(c + (NBUF - 1), NBUF) * CHUNK)

        return carry

    lax.fori_loop(0, NCHUNK, chunk_body, 0)
    for _ in range(NBUF):
        chunk_wait(ssem)


_mesh = plsc.VectorSubcoreMesh(core_axis_name="c", subcore_axis_name="s")

_sc_kernel = functools.partial(
    pl.kernel,
    mesh=_mesh,
    out_type=jax.ShapeDtypeStruct((N, M), jnp.float32),
    scratch_types=[
        pltpu.VMEM((B_PER_W,), jnp.int32),
        pltpu.VMEM((M,), jnp.float32),
        pltpu.VMEM((M,), jnp.float32),
        pltpu.VMEM((LANES,), jnp.float32),
        pltpu.VMEM((LANES,), jnp.float32),
        pltpu.VMEM((NBUF * CHUNK, M), jnp.float32),
        pltpu.SemaphoreType.DMA,
        pltpu.SemaphoreType.DMA,
    ],
)(_sc_body)


def kernel(eigvals, eigvecs, node_indices, lengthscale, variance):
    idx = node_indices.astype(jnp.int32)
    return _sc_kernel(eigvals, eigvecs, idx, lengthscale, variance)

# --- scband reference (transcript-rebuilt; emitter-appended) ---
"""Pipeline reference for scband-laplacian-inducing-features-27745488732983 (READ-ONLY COPY).

The authoritative reference and input builder live on the scoring server;
editing this copy changes nothing except your own understanding.
"""

import jax, jax.numpy as jnp
import numpy as np

V, M, N = 50000, 512, 16384

def spectral_density(eigvals, lengthscale, variance):
    # Heat-kernel spectrum matching RBF: g(mu) = variance * exp(-mu / (2 * ell^2))
    return variance * jnp.exp(-eigvals / (2.0 * lengthscale ** 2))

def setup_inputs(seed: int = 0) -> dict:
    key = jax.random.key(seed)
    k1, k2, k3 = jax.random.split(key, 3)
    # Normalized graph Laplacian eigenvalues lie in [0, 2]; take the smallest M, sorted ascending.
    eigvals = jnp.sort(jax.random.uniform(k1, (M,), dtype=jnp.float32) * 2.0)
    # Eigenvectors of a V-node graph Laplacian; orthonormal-ish scale ~ 1/sqrt(V).
    eigvecs = jax.random.normal(k2, (V, M), dtype=jnp.float32) / np.sqrt(V)
    node_indices = jax.random.randint(k3, (N,), 0, V).astype(jnp.int64)
    lengthscale = jnp.ones((1,), dtype=jnp.float32)
    variance = jnp.ones((1,), dtype=jnp.float32)
    return {"eigvals": eigvals, "eigvecs": eigvecs, "node_indices": node_indices, "lengthscale": lengthscale, "variance": variance}

def reference(eigvals, eigvecs, node_indices, lengthscale, variance):
    # LaplacianInducingFeatures.k_ux: gather eigvec rows at node indices, scale by spectral density.
    S = spectral_density(eigvals, lengthscale[0], variance[0])  # (M,)
    rows = jnp.take(eigvecs, node_indices, axis=0)              # (N, M) gather
    return rows * S[None, :]                                    # (N, M)

if __name__ == "__main__":
    import jax
    _d = setup_inputs()
    print(jax.jit(kernel)(*tuple(_d.values())))

</pallas_src>

<mosaic_0001>
#map = affine_map<(d0, d1) -> (0)>
#map1 = affine_map<(d0, d1) -> (0, 0)>
module attributes {stable_mosaic.version = 14 : i64} {
  func.func @_sc_body(%arg0: i32, %arg1: i32, %arg2: memref<512xf32, #tpu.memory_space<hbm>>, %arg3: memref<50000x512xf32, #tpu.memory_space<hbm>>, %arg4: memref<16384xi32, #tpu.memory_space<hbm>>, %arg5: memref<1xf32, #tpu.memory_space<hbm>>, %arg6: memref<1xf32, #tpu.memory_space<hbm>>, %arg7: memref<16384x512xf32, #tpu.memory_space<hbm>>, %arg8: memref<512xi32, #tpu.memory_space<vmem>>, %arg9: memref<512xf32, #tpu.memory_space<vmem>>, %arg10: memref<512xf32, #tpu.memory_space<vmem>>, %arg11: memref<16xf32, #tpu.memory_space<vmem>>, %arg12: memref<16xf32, #tpu.memory_space<vmem>>, %arg13: memref<96x512xf32, #tpu.memory_space<vmem>>, %arg14: memref<!tpu.dma_semaphore, #tpu.memory_space<semaphore_mem>>, %arg15: memref<!tpu.dma_semaphore, #tpu.memory_space<semaphore_mem>>) attributes {dimension_semantics = [#tpu.dimension_semantics<core_parallel>, #tpu.dimension_semantics<subcore_parallel>], iteration_bounds = array<i64: 2, 16>, scalar_prefetch = 0 : i64, scratch_operands = 8 : i64, tpu.core_type = #tpu.core_type<sc_vector_subcore>, window_params = [{transform_indices = #map}, {transform_indices = #map1}, {transform_indices = #map}, {transform_indices = #map}, {transform_indices = #map}, {transform_indices = #map1}]} {
    %mul3A = arith.constant 2 : i32
    %mul3A_0 = arith.muli %arg1, %mul3A : i32
    %add3A = arith.addi %mul3A_0, %arg0 : i32
    %mul3A_1 = arith.constant 512 : i32
    %mul3A_2 = arith.muli %add3A, %mul3A_1 : i32
    "tpu.region"() ({
      %run_scoped3A = tpu.sem_alloc : memref<!tpu.dma_semaphore, #tpu.memory_space<semaphore_mem>>
      %dma_start3A_135 = tpu.memref_slice %arg4[%mul3A_2] : memref<16384xi32, #tpu.memory_space<hbm>> -> memref<512xi32, #tpu.memory_space<hbm>>
      %dma_start3A_136 = tpu.memref_slice %arg4[%mul3A_2] : memref<16384xi32, #tpu.memory_space<hbm>> -> memref<512xi32, #tpu.memory_space<hbm>>
      tpu.enqueue_dma source(%dma_start3A_136 : memref<512xi32, #tpu.memory_space<hbm>>) target(%arg8 : memref<512xi32, #tpu.memory_space<vmem>>) target_semaphore(%run_scoped3A : memref<!tpu.dma_semaphore, #tpu.memory_space<semaphore_mem>>)
      %dma_wait3A_137 = tpu.memref_slice %arg4[%mul3A_2] : memref<16384xi32, #tpu.memory_space<hbm>> -> memref<512xi32, #tpu.memory_space<hbm>>
      %dma_wait3A_138 = tpu.memref_slice %arg4[%mul3A_2] : memref<16384xi32, #tpu.memory_space<hbm>> -> memref<512xi32, #tpu.memory_space<hbm>>
      tpu.wait_dma2 semaphore(%run_scoped3A : memref<!tpu.dma_semaphore, #tpu.memory_space<semaphore_mem>>) src(%dma_wait3A_138 : memref<512xi32, #tpu.memory_space<hbm>>) dst(%arg8 : memref<512xi32, #tpu.memory_space<vmem>>)
      tpu.yield
    }) : () -> ()
    %dma_start3A = arith.constant 0 : i32
    %dma_start3A_3 = arith.constant 0 : i32
    %dma_start3A_4 = tpu.memref_slice %arg13[%dma_start3A, %dma_start3A_3] : memref<96x512xf32, #tpu.memory_space<vmem>> -> memref<16x512xf32, #tpu.memory_space<vmem>>
    %dma_start3A_5 = arith.constant 0 : i32
    %dma_start3A_6 = tpu.memref_slice %arg8[%dma_start3A_5] : memref<512xi32, #tpu.memory_space<vmem>> -> memref<16xi32, #tpu.memory_space<vmem>>
    %dma_start3A_7 = arith.constant 0 : i32
    %dma_start3A_8 = arith.constant 0 : i32
    %dma_start3A_9 = tpu.memref_slice %arg3[%dma_start3A_7, %dma_start3A_8] : memref<50000x512xf32, #tpu.memory_space<hbm>> -> memref<50000x512xf32, #tpu.memory_space<hbm>>
    tpu.enqueue_indirect_dma source(%dma_start3A_9 : memref<50000x512xf32, #tpu.memory_space<hbm>>) target(%dma_start3A_4 : memref<16x512xf32, #tpu.memory_space<vmem>>) offsets(%dma_start3A_6 : memref<16xi32, #tpu.memory_space<vmem>>) semaphore(%arg14 : memref<!tpu.dma_semaphore, #tpu.memory_space<semaphore_mem>>)
    %dma_start3A_10 = arith.constant 16 : i32
    %dma_start3A_11 = arith.constant 0 : i32
    %dma_start3A_12 = tpu.memref_slice %arg13[%dma_start3A_10, %dma_start3A_11] : memref<96x512xf32, #tpu.memory_space<vmem>> -> memref<16x512xf32, #tpu.memory_space<vmem>>
    %dma_start3A_13 = arith.constant 16 : i32
    %dma_start3A_14 = tpu.memref_slice %arg8[%dma_start3A_13] : memref<512xi32, #tpu.memory_space<vmem>> -> memref<16xi32, #tpu.memory_space<vmem>>
    %dma_start3A_15 = arith.constant 0 : i32
    %dma_start3A_16 = arith.constant 0 : i32
    %dma_start3A_17 = tpu.memref_slice %arg3[%dma_start3A_15, %dma_start3A_16] : memref<50000x512xf32, #tpu.memory_space<hbm>> -> memref<50000x512xf32, #tpu.memory_space<hbm>>
    tpu.enqueue_indirect_dma source(%dma_start3A_17 : memref<50000x512xf32, #tpu.memory_space<hbm>>) target(%dma_start3A_12 : memref<16x512xf32, #tpu.memory_space<vmem>>) offsets(%dma_start3A_14 : memref<16xi32, #tpu.memory_space<vmem>>) semaphore(%arg14 : memref<!tpu.dma_semaphore, #tpu.memory_space<semaphore_mem>>)
    %dma_start3A_18 = arith.constant 32 : i32
    %dma_start3A_19 = arith.constant 0 : i32
    %dma_start3A_20 = tpu.memref_slice %arg13[%dma_start3A_18, %dma_start3A_19] : memref<96x512xf32, #tpu.memory_space<vmem>> -> memref<16x512xf32, #tpu.memory_space<vmem>>
    %dma_start3A_21 = arith.constant 32 : i32
    %dma_start3A_22 = tpu.memref_slice %arg8[%dma_start3A_21] : memref<512xi32, #tpu.memory_space<vmem>> -> memref<16xi32, #tpu.memory_space<vmem>>
    %dma_start3A_23 = arith.constant 0 : i32
    %dma_start3A_24 = arith.constant 0 : i32
    %dma_start3A_25 = tpu.memref_slice %arg3[%dma_start3A_23, %dma_start3A_24] : memref<50000x512xf32, #tpu.memory_space<hbm>> -> memref<50000x512xf32, #tpu.memory_space<hbm>>
    tpu.enqueue_indirect_dma source(%dma_start3A_25 : memref<50000x512xf32, #tpu.memory_space<hbm>>) target(%dma_start3A_20 : memref<16x512xf32, #tpu.memory_space<vmem>>) offsets(%dma_start3A_22 : memref<16xi32, #tpu.memory_space<vmem>>) semaphore(%arg14 : memref<!tpu.dma_semaphore, #tpu.memory_space<semaphore_mem>>)
    %dma_start3A_26 = arith.constant 48 : i32
    %dma_start3A_27 = arith.constant 0 : i32
    %dma_start3A_28 = tpu.memref_slice %arg13[%dma_start3A_26, %dma_start3A_27] : memref<96x512xf32, #tpu.memory_space<vmem>> -> memref<16x512xf32, #tpu.memory_space<vmem>>
    %dma_start3A_29 = arith.constant 48 : i32
    %dma_start3A_30 = tpu.memref_slice %arg8[%dma_start3A_29] : memref<512xi32, #tpu.memory_space<vmem>> -> memref<16xi32, #tpu.memory_space<vmem>>
    %dma_start3A_31 = arith.constant 0 : i32
    %dma_start3A_32 = arith.constant 0 : i32
    %dma_start3A_33 = tpu.memref_slice %arg3[%dma_start3A_31, %dma_start3A_32] : memref<50000x512xf32, #tpu.memory_space<hbm>> -> memref<50000x512xf32, #tpu.memory_space<hbm>>
    tpu.enqueue_indirect_dma source(%dma_start3A_33 : memref<50000x512xf32, #tpu.memory_space<hbm>>) target(%dma_start3A_28 : memref<16x512xf32, #tpu.memory_space<vmem>>) offsets(%dma_start3A_30 : memref<16xi32, #tpu.memory_space<vmem>>) semaphore(%arg14 : memref<!tpu.dma_semaphore, #tpu.memory_space<semaphore_mem>>)
    %dma_start3A_34 = arith.constant 64 : i32
    %dma_start3A_35 = arith.constant 0 : i32
    %dma_start3A_36 = tpu.memref_slice %arg13[%dma_start3A_34, %dma_start3A_35] : memref<96x512xf32, #tpu.memory_space<vmem>> -> memref<16x512xf32, #tpu.memory_space<vmem>>
    %dma_start3A_37 = arith.constant 64 : i32
    %dma_start3A_38 = tpu.memref_slice %arg8[%dma_start3A_37] : memref<512xi32, #tpu.memory_space<vmem>> -> memref<16xi32, #tpu.memory_space<vmem>>
    %dma_start3A_39 = arith.constant 0 : i32
    %dma_start3A_40 = arith.constant 0 : i32
    %dma_start3A_41 = tpu.memref_slice %arg3[%dma_start3A_39, %dma_start3A_40] : memref<50000x512xf32, #tpu.memory_space<hbm>> -> memref<50000x512xf32, #tpu.memory_space<hbm>>
    tpu.enqueue_indirect_dma source(%dma_start3A_41 : memref<50000x512xf32, #tpu.memory_space<hbm>>) target(%dma_start3A_36 : memref<16x512xf32, #tpu.memory_space<vmem>>) offsets(%dma_start3A_38 : memref<16xi32, #tpu.memory_space<vmem>>) semaphore(%arg14 : memref<!tpu.dma_semaphore, #tpu.memory_space<semaphore_mem>>)
    "tpu.region"() ({
      %run_scoped3A = tpu.sem_alloc : memref<!tpu.dma_semaphore, #tpu.memory_space<semaphore_mem>>
      tpu.enqueue_dma source(%arg2 : memref<512xf32, #tpu.memory_space<hbm>>) target(%arg10 : memref<512xf32, #tpu.memory_space<vmem>>) target_semaphore(%run_scoped3A : memref<!tpu.dma_semaphore, #tpu.memory_space<semaphore_mem>>)
      tpu.wait_dma2 semaphore(%run_scoped3A : memref<!tpu.dma_semaphore, #tpu.memory_space<semaphore_mem>>) src(%arg2 : memref<512xf32, #tpu.memory_space<hbm>>) dst(%arg10 : memref<512xf32, #tpu.memory_space<vmem>>)
      tpu.yield
    }) : () -> ()
    "tpu.region"() ({
      %run_scoped3A = tpu.sem_alloc : memref<!tpu.dma_semaphore, #tpu.memory_space<semaphore_mem>>
      %dma_start3A_135 = arith.constant 0 : i32
      %dma_start3A_136 = tpu.memref_slice %arg11[%dma_start3A_135] : memref<16xf32, #tpu.memory_space<vmem>> -> memref<1xf32, #tpu.memory_space<vmem>>
      %dma_start3A_137 = arith.constant 0 : i32
      %dma_start3A_138 = tpu.memref_slice %arg11[%dma_start3A_137] : memref<16xf32, #tpu.memory_space<vmem>> -> memref<1xf32, #tpu.memory_space<vmem>>
      tpu.enqueue_dma source(%arg5 : memref<1xf32, #tpu.memory_space<hbm>>) target(%dma_start3A_138 : memref<1xf32, #tpu.memory_space<vmem>>) target_semaphore(%run_scoped3A : memref<!tpu.dma_semaphore, #tpu.memory_space<semaphore_mem>>)
      %dma_wait3A_139 = arith.constant 0 : i32
      %dma_wait3A_140 = tpu.memref_slice %arg11[%dma_wait3A_139] : memref<16xf32, #tpu.memory_space<vmem>> -> memref<1xf32, #tpu.memory_space<vmem>>
      %dma_wait3A_141 = arith.constant 0 : i32
      %dma_wait3A_142 = tpu.memref_slice %arg11[%dma_wait3A_141] : memref<16xf32, #tpu.memory_space<vmem>> -> memref<1xf32, #tpu.memory_space<vmem>>
      tpu.wait_dma2 semaphore(%run_scoped3A : memref<!tpu.dma_semaphore, #tpu.memory_space<semaphore_mem>>) src(%arg5 : memref<1xf32, #tpu.memory_space<hbm>>) dst(%dma_wait3A_142 : memref<1xf32, #tpu.memory_space<vmem>>)
      tpu.yield
    }) : () -> ()
    "tpu.region"() ({
      %run_scoped3A = tpu.sem_alloc : memref<!tpu.dma_semaphore, #tpu.memory_space<semaphore_mem>>
      %dma_start3A_135 = arith.constant 0 : i32
      %dma_start3A_136 = tpu.memref_slice %arg12[%dma_start3A_135] : memref<16xf32, #tpu.memory_space<vmem>> -> memref<1xf32, #tpu.memory_space<vmem>>
      %dma_start3A_137 = arith.constant 0 : i32
      %dma_start3A_138 = tpu.memref_slice %arg12[%dma_start3A_137] : memref<16xf32, #tpu.memory_space<vmem>> -> memref<1xf32, #tpu.memory_space<vmem>>
      tpu.enqueue_dma source(%arg6 : memref<1xf32, #tpu.memory_space<hbm>>) target(%dma_start3A_138 : memref<1xf32, #tpu.memory_space<vmem>>) target_semaphore(%run_scoped3A : memref<!tpu.dma_semaphore, #tpu.memory_space<semaphore_mem>>)
      %dma_wait3A_139 = arith.constant 0 : i32
      %dma_wait3A_140 = tpu.memref_slice %arg12[%dma_wait3A_139] : memref<16xf32, #tpu.memory_space<vmem>> -> memref<1xf32, #tpu.memory_space<vmem>>
      %dma_wait3A_141 = arith.constant 0 : i32
      %dma_wait3A_142 = tpu.memref_slice %arg12[%dma_wait3A_141] : memref<16xf32, #tpu.memory_space<vmem>> -> memref<1xf32, #tpu.memory_space<vmem>>
      tpu.wait_dma2 semaphore(%run_scoped3A : memref<!tpu.dma_semaphore, #tpu.memory_space<semaphore_mem>>) src(%arg6 : memref<1xf32, #tpu.memory_space<hbm>>) dst(%dma_wait3A_142 : memref<1xf32, #tpu.memory_space<vmem>>)
      tpu.yield
    }) : () -> ()
    %get3A = arith.constant 0 : index
    %get3A_42 = tpu.vector_load %arg11[%get3A] {strides = array<i32>} : memref<16xf32, #tpu.memory_space<vmem>>, vector<16xf32>,
    %get3A_43 = vector.shape_cast %get3A_42 : vector<16xf32> to vector<16xf32>
    %slice3A = vector.extract_strided_slice %get3A_43 {offsets = [0], sizes = [1], strides = [1]} : vector<16xf32> to vector<1xf32>
    %squeeze3A = vector.extract %slice3A[0] : f32 from vector<1xf32>
    %broadcast_in_dim3A = vector.broadcast %squeeze3A : f32 to vector<16xf32>
    %get3A_44 = arith.constant 0 : index
    %get3A_45 = tpu.vector_load %arg12[%get3A_44] {strides = array<i32>} : memref<16xf32, #tpu.memory_space<vmem>>, vector<16xf32>,
    %get3A_46 = vector.shape_cast %get3A_45 : vector<16xf32> to vector<16xf32>
    %slice3A_47 = vector.extract_strided_slice %get3A_46 {offsets = [0], sizes = [1], strides = [1]} : vector<16xf32> to vector<1xf32>
    %squeeze3A_48 = vector.extract %slice3A_47[0] : f32 from vector<1xf32>
    %broadcast_in_dim3A_49 = vector.broadcast %squeeze3A_48 : f32 to vector<16xf32>
    %mul3A_50 = arith.mulf %broadcast_in_dim3A, %broadcast_in_dim3A : vector<16xf32>
    %div3A = arith.constant -5.000000e-01 : f32
    %div3A_51 = vector.broadcast %div3A : f32 to vector<16xf32>
    %div3A_52 = arith.divf %div3A_51, %mul3A_50 : vector<16xf32>
    %scan3A = arith.constant 0 : i32
    %scan3A_53 = arith.constant 0 : i32
    %scan3A_54 = arith.constant 32 : i32
    %scan3A_55 = arith.addi %scan3A_53, %scan3A_54 : i32
    %scan3A_56 = arith.constant 1 : i32
    scf.for %scan3A_135 = %scan3A_53 to %scan3A_55 step %scan3A_56  : i32 {
      %mul3A_136 = arith.constant 16 : i32
      %mul3A_137 = arith.muli %scan3A_135, %mul3A_136 : i32
      %get3A_138 = arith.index_cast %mul3A_137 : i32 to index
      %get3A_139 = tpu.vector_load %arg10[%get3A_138] {strides = array<i32>} : memref<512xf32, #tpu.memory_space<vmem>>, vector<16xf32>,
      %get3A_140 = vector.shape_cast %get3A_139 : vector<16xf32> to vector<16xf32>
      %mul3A_141 = arith.mulf %get3A_140, %div3A_52 : vector<16xf32>
      %exp3A = math.exp %mul3A_141 : vector<16xf32>
      %mul3A_142 = arith.mulf %broadcast_in_dim3A_49, %exp3A : vector<16xf32>
      %swap3A = arith.index_cast %mul3A_137 : i32 to index
      %swap3A_143 = tpu.vector_load %arg9[%swap3A] {strides = array<i32>} : memref<512xf32, #tpu.memory_space<vmem>>, vector<16xf32>,
      %swap3A_144 = vector.shape_cast %swap3A_143 : vector<16xf32> to vector<16xf32>
      %swap3A_145 = vector.shape_cast %mul3A_142 : vector<16xf32> to vector<16xf32>
      tpu.vector_store %arg9[%swap3A], %swap3A_145 {strides = array<i32>} : memref<512xf32, #tpu.memory_space<vmem>>, vector<16xf32>,
    }
    %scan3A_57 = arith.constant 32 : i32
    %scan3A_58 = arith.constant 0 : i32
    %scan3A_59 = arith.constant 0 : i32
    %scan3A_60 = arith.constant 32 : i32
    %scan3A_61 = arith.addi %scan3A_59, %scan3A_60 : i32
    %scan3A_62 = arith.constant 1 : i32
    scf.for %scan3A_135 = %scan3A_59 to %scan3A_61 step %scan3A_62  : i32 {
      %rem3A = arith.constant 6 : i32
      %rem3A_136 = arith.remsi %scan3A_135, %rem3A : i32
      %mul3A_137 = arith.constant 16 : i32
      %mul3A_138 = arith.muli %rem3A_136, %mul3A_137 : i32
      %dma_wait3A_139 = arith.constant 0 : i32
      %dma_wait3A_140 = arith.constant 0 : i32
      %dma_wait3A_141 = tpu.memref_slice %arg13[%dma_wait3A_139, %dma_wait3A_140] : memref<96x512xf32, #tpu.memory_space<vmem>> -> memref<16x512xf32, #tpu.memory_space<vmem>>
      %dma_wait3A_142 = arith.constant 0 : i32
      %dma_wait3A_143 = arith.constant 0 : i32
      %dma_wait3A_144 = tpu.memref_slice %arg7[%dma_wait3A_142, %dma_wait3A_143] : memref<16384x512xf32, #tpu.memory_space<hbm>> -> memref<16x512xf32, #tpu.memory_space<hbm>>
      %dma_wait3A_145 = arith.constant 0 : i32
      %dma_wait3A_146 = arith.constant 0 : i32
      %dma_wait3A_147 = tpu.memref_slice %arg13[%dma_wait3A_145, %dma_wait3A_146] : memref<96x512xf32, #tpu.memory_space<vmem>> -> memref<16x512xf32, #tpu.memory_space<vmem>>
      %dma_wait3A_148 = arith.constant 0 : i32
      %dma_wait3A_149 = arith.constant 0 : i32
      %dma_wait3A_150 = tpu.memref_slice %arg7[%dma_wait3A_148, %dma_wait3A_149] : memref<16384x512xf32, #tpu.memory_space<hbm>> -> memref<16x512xf32, #tpu.memory_space<hbm>>
      tpu.wait_dma2 semaphore(%arg14 : memref<!tpu.dma_semaphore, #tpu.memory_space<semaphore_mem>>) src(%dma_wait3A_150 : memref<16x512xf32, #tpu.memory_space<hbm>>) dst(%dma_wait3A_147 : memref<16x512xf32, #tpu.memory_space<vmem>>)
      %get3A_151 = arith.constant 0 : index
      %get3A_152 = tpu.vector_load %arg9[%get3A_151] {strides = array<i32>} : memref<512xf32, #tpu.memory_space<vmem>>, vector<16xf32>,
      %get3A_153 = vector.shape_cast %get3A_152 : vector<16xf32> to vector<16xf32>
      %get3A_154 = arith.constant 16 : index
      %get3A_155 = tpu.vector_load %arg9[%get3A_154] {strides = array<i32>} : memref<512xf32, #tpu.memory_space<vmem>>, vector<16xf32>,
      %get3A_156 = vector.shape_cast %get3A_155 : vector<16xf32> to vector<16xf32>
      %get3A_157 = arith.constant 32 : index
      %get3A_158 = tpu.vector_load %arg9[%get3A_157] {strides = array<i32>} : memref<512xf32, #tpu.memory_space<vmem>>, vector<16xf32>,
      %get3A_159 = vector.shape_cast %get3A_158 : vector<16xf32> to vector<16xf32>
      %get3A_160 = arith.constant 48 : index
      %get3A_161 = tpu.vector_load %arg9[%get3A_160] {strides = array<i32>} : memref<512xf32, #tpu.memory_space<vmem>>, vector<16xf32>,
      %get3A_162 = vector.shape_cast %get3A_161 : vector<16xf32> to vector<16xf32>
      %get3A_163 = arith.constant 64 : index
      %get3A_164 = tpu.vector_load %arg9[%get3A_163] {strides = array<i32>} : memref<512xf32, #tpu.memory_space<vmem>>, vector<16xf32>,
      %get3A_165 = vector.shape_cast %get3A_164 : vector<16xf32> to vector<16xf32>
      %get3A_166 = arith.constant 80 : index
      %get3A_167 = tpu.vector_load %arg9[%get3A_166] {strides = array<i32>} : memref<512xf32, #tpu.memory_space<vmem>>, vector<16xf32>,
      %get3A_168 = vector.shape_cast %get3A_167 : vector<16xf32> to vector<16xf32>
      %get3A_169 = arith.constant 96 : index
      %get3A_170 = tpu.vector_load %arg9[%get3A_169] {strides = array<i32>} : memref<512xf32, #tpu.memory_space<vmem>>, vector<16xf32>,
      %get3A_171 = vector.shape_cast %get3A_170 : vector<16xf32> to vector<16xf32>
      %get3A_172 = arith.constant 112 : index
      %get3A_173 = tpu.vector_load %arg9[%get3A_172] {strides = array<i32>} : memref<512xf32, #tpu.memory_space<vmem>>, vector<16xf32>,
      %get3A_174 = vector.shape_cast %get3A_173 : vector<16xf32> to vector<16xf32>
      %get3A_175 = arith.constant 128 : index
      %get3A_176 = tpu.vector_load %arg9[%get3A_175] {strides = array<i32>} : memref<512xf32, #tpu.memory_space<vmem>>, vector<16xf32>,
      %get3A_177 = vector.shape_cast %get3A_176 : vector<16xf32> to vector<16xf32>
      %get3A_178 = arith.constant 144 : index
      %get3A_179 = tpu.vector_load %arg9[%get3A_178] {strides = array<i32>} : memref<512xf32, #tpu.memory_space<vmem>>, vector<16xf32>,
      %get3A_180 = vector.shape_cast %get3A_179 : vector<16xf32> to vector<16xf32>
      %get3A_181 = arith.constant 160 : index
      %get3A_182 = tpu.vector_load %arg9[%get3A_181] {strides = array<i32>} : memref<512xf32, #tpu.memory_space<vmem>>, vector<16xf32>,
      %get3A_183 = vector.shape_cast %get3A_182 : vector<16xf32> to vector<16xf32>
      %get3A_184 = arith.constant 176 : index
      %get3A_185 = tpu.vector_load %arg9[%get3A_184] {strides = array<i32>} : memref<512xf32, #tpu.memory_space<vmem>>, vector<16xf32>,
      %get3A_186 = vector.shape_cast %get3A_185 : vector<16xf32> to vector<16xf32>
      %get3A_187 = arith.constant 192 : index
      %get3A_188 = tpu.vector_load %arg9[%get3A_187] {strides = array<i32>} : memref<512xf32, #tpu.memory_space<vmem>>, vector<16xf32>,
      %get3A_189 = vector.shape_cast %get3A_188 : vector<16xf32> to vector<16xf32>
      %get3A_190 = arith.constant 208 : index
      %get3A_191 = tpu.vector_load %arg9[%get3A_190] {strides = array<i32>} : memref<512xf32, #tpu.memory_space<vmem>>, vector<16xf32>,
      %get3A_192 = vector.shape_cast %get3A_191 : vector<16xf32> to vector<16xf32>
      %get3A_193 = arith.constant 224 : index
      %get3A_194 = tpu.vector_load %arg9[%get3A_193] {strides = array<i32>} : memref<512xf32, #tpu.memory_space<vmem>>, vector<16xf32>,
      %get3A_195 = vector.shape_cast %get3A_194 : vector<16xf32> to vector<16xf32>
      %get3A_196 = arith.constant 240 : index
      %get3A_197 = tpu.vector_load %arg9[%get3A_196] {strides = array<i32>} : memref<512xf32, #tpu.memory_space<vmem>>, vector<16xf32>,
      %get3A_198 = vector.shape_cast %get3A_197 : vector<16xf32> to vector<16xf32>
      %get3A_199 = arith.constant 256 : index
      %get3A_200 = tpu.vector_load %arg9[%get3A_199] {strides = array<i32>} : memref<512xf32, #tpu.memory_space<vmem>>, vector<16xf32>,
      %get3A_201 = vector.shape_cast %get3A_200 : vector<16xf32> to vector<16xf32>
      %get3A_202 = arith.constant 272 : index
      %get3A_203 = tpu.vector_load %arg9[%get3A_202] {strides = array<i32>} : memref<512xf32, #tpu.memory_space<vmem>>, vector<16xf32>,
      %get3A_204 = vector.shape_cast %get3A_203 : vector<16xf32> to vector<16xf32>
      %get3A_205 = arith.constant 288 : index
      %get3A_206 = tpu.vector_load %arg9[%get3A_205] {strides = array<i32>} : memref<512xf32, #tpu.memory_space<vmem>>, vector<16xf32>,
      %get3A_207 = vector.shape_cast %get3A_206 : vector<16xf32> to vector<16xf32>
      %get3A_208 = arith.constant 304 : index
      %get3A_209 = tpu.vector_load %arg9[%get3A_208] {strides = array<i32>} : memref<512xf32, #tpu.memory_space<vmem>>, vector<16xf32>,
      %get3A_210 = vector.shape_cast %get3A_209 : vector<16xf32> to vector<16xf32>
      %get3A_211 = arith.constant 320 : index
      %get3A_212 = tpu.vector_load %arg9[%get3A_211] {strides = array<i32>} : memref<512xf32, #tpu.memory_space<vmem>>, vector<16xf32>,
      %get3A_213 = vector.shape_cast %get3A_212 : vector<16xf32> to vector<16xf32>
      %get3A_214 = arith.constant 336 : index
      %get3A_215 = tpu.vector_load %arg9[%get3A_214] {strides = array<i32>} : memref<512xf32, #tpu.memory_space<vmem>>, vector<16xf32>,
      %get3A_216 = vector.shape_cast %get3A_215 : vector<16xf32> to vector<16xf32>
      %get3A_217 = arith.constant 352 : index
      %get3A_218 = tpu.vector_load %arg9[%get3A_217] {strides = array<i32>} : memref<512xf32, #tpu.memory_space<vmem>>, vector<16xf32>,
      %get3A_219 = vector.shape_cast %get3A_218 : vector<16xf32> to vector<16xf32>
      %get3A_220 = arith.constant 368 : index
      %get3A_221 = tpu.vector_load %arg9[%get3A_220] {strides = array<i32>} : memref<512xf32, #tpu.memory_space<vmem>>, vector<16xf32>,
      %get3A_222 = vector.shape_cast %get3A_221 : vector<16xf32> to vector<16xf32>
      %get3A_223 = arith.constant 384 : index
      %get3A_224 = tpu.vector_load %arg9[%get3A_223] {strides = array<i32>} : memref<512xf32, #tpu.memory_space<vmem>>, vector<16xf32>,
      %get3A_225 = vector.shape_cast %get3A_224 : vector<16xf32> to vector<16xf32>
      %get3A_226 = arith.constant 400 : index
      %get3A_227 = tpu.vector_load %arg9[%get3A_226] {strides = array<i32>} : memref<512xf32, #tpu.memory_space<vmem>>, vector<16xf32>,
      %get3A_228 = vector.shape_cast %get3A_227 : vector<16xf32> to vector<16xf32>
      %get3A_229 = arith.constant 416 : index
      %get3A_230 = tpu.vector_load %arg9[%get3A_229] {strides = array<i32>} : memref<512xf32, #tpu.memory_space<vmem>>, vector<16xf32>,
      %get3A_231 = vector.shape_cast %get3A_230 : vector<16xf32> to vector<16xf32>
      %get3A_232 = arith.constant 432 : index
      %get3A_233 = tpu.vector_load %arg9[%get3A_232] {strides = array<i32>} : memref<512xf32, #tpu.memory_space<vmem>>, vector<16xf32>,
      %get3A_234 = vector.shape_cast %get3A_233 : vector<16xf32> to vector<16xf32>
      %get3A_235 = arith.constant 448 : index
      %get3A_236 = tpu.vector_load %arg9[%get3A_235] {strides = array<i32>} : memref<512xf32, #tpu.memory_space<vmem>>, vector<16xf32>,
      %get3A_237 = vector.shape_cast %get3A_236 : vector<16xf32> to vector<16xf32>
      %get3A_238 = arith.constant 464 : index
      %get3A_239 = tpu.vector_load %arg9[%get3A_238] {strides = array<i32>} : memref<512xf32, #tpu.memory_space<vmem>>, vector<16xf32>,
      %get3A_240 = vector.shape_cast %get3A_239 : vector<16xf32> to vector<16xf32>
      %get3A_241 = arith.constant 480 : index
      %get3A_242 = tpu.vector_load %arg9[%get3A_241] {strides = array<i32>} : memref<512xf32, #tpu.memory_space<vmem>>, vector<16xf32>,
      %get3A_243 = vector.shape_cast %get3A_242 : vector<16xf32> to vector<16xf32>
      %get3A_244 = arith.constant 496 : index
      %get3A_245 = tpu.vector_load %arg9[%get3A_244] {strides = array<i32>} : memref<512xf32, #tpu.memory_space<vmem>>, vector<16xf32>,
      %get3A_246 = vector.shape_cast %get3A_245 : vector<16xf32> to vector<16xf32>
      %scan3A_247 = arith.constant 0 : i32
      %scan3A_248 = arith.constant 0 : i32
      %scan3A_249 = arith.constant 16 : i32
      %scan3A_250 = arith.addi %scan3A_248, %scan3A_249 : i32
      %scan3A_251 = arith.constant 1 : i32
      scf.for %scan3A_276 = %scan3A_248 to %scan3A_250 step %scan3A_251  : i32 {
        %add3A_277 = arith.addi %mul3A_138, %scan3A_276 : i32
        %get3A_278 = arith.index_cast %add3A_277 : i32 to index
        %get3A_279 = arith.constant 0 : index
        %get3A_280 = tpu.vector_load %arg13[%get3A_278, %get3A_279] {strides = array<i32>} : memref<96x512xf32, #tpu.memory_space<vmem>>, vector<1x16xf32>,
        %get3A_281 = vector.shape_cast %get3A_280 : vector<1x16xf32> to vector<16xf32>
        %mul3A_282 = arith.mulf %get3A_281, %get3A_153 : vector<16xf32>
        %add3A_283 = arith.addi %mul3A_138, %scan3A_276 : i32
        %swap3A = arith.index_cast %add3A_283 : i32 to index
        %swap3A_284 = arith.constant 0 : index
        %swap3A_285 = tpu.vector_load %arg13[%swap3A, %swap3A_284] {strides = array<i32>} : memref<96x512xf32, #tpu.memory_space<vmem>>, vector<1x16xf32>,
        %swap3A_286 = vector.shape_cast %swap3A_285 : vector<1x16xf32> to vector<16xf32>
        %swap3A_287 = vector.shape_cast %mul3A_282 : vector<16xf32> to vector<1x16xf32>
        tpu.vector_store %arg13[%swap3A, %swap3A_284], %swap3A_287 {strides = array<i32>} : memref<96x512xf32, #tpu.memory_space<vmem>>, vector<1x16xf32>,
        %add3A_288 = arith.addi %mul3A_138, %scan3A_276 : i32
        %get3A_289 = arith.index_cast %add3A_288 : i32 to index
        %get3A_290 = arith.constant 16 : index
        %get3A_291 = tpu.vector_load %arg13[%get3A_289, %get3A_290] {strides = array<i32>} : memref<96x512xf32, #tpu.memory_space<vmem>>, vector<1x16xf32>,
        %get3A_292 = vector.shape_cast %get3A_291 : vector<1x16xf32> to vector<16xf32>
        %mul3A_293 = arith.mulf %get3A_292, %get3A_156 : vector<16xf32>
        %add3A_294 = arith.addi %mul3A_138, %scan3A_276 : i32
        %swap3A_295 = arith.index_cast %add3A_294 : i32 to index
        %swap3A_296 = arith.constant 16 : index
        %swap3A_297 = tpu.vector_load %arg13[%swap3A_295, %swap3A_296] {strides = array<i32>} : memref<96x512xf32, #tpu.memory_space<vmem>>, vector<1x16xf32>,
        %swap3A_298 = vector.shape_cast %swap3A_297 : vector<1x16xf32> to vector<16xf32>
        %swap3A_299 = vector.shape_cast %mul3A_293 : vector<16xf32> to vector<1x16xf32>
        tpu.vector_store %arg13[%swap3A_295, %swap3A_296], %swap3A_299 {strides = array<i32>} : memref<96x512xf32, #tpu.memory_space<vmem>>, vector<1x16xf32>,
        %add3A_300 = arith.addi %mul3A_138, %scan3A_276 : i32
        %get3A_301 = arith.index_cast %add3A_300 : i32 to index
        %get3A_302 = arith.constant 32 : index
        %get3A_303 = tpu.vector_load %arg13[%get3A_301, %get3A_302] {strides = array<i32>} : memref<96x512xf32, #tpu.memory_space<vmem>>, vector<1x16xf32>,
        %get3A_304 = vector.shape_cast %get3A_303 : vector<1x16xf32> to vector<16xf32>
        %mul3A_305 = arith.mulf %get3A_304, %get3A_159 : vector<16xf32>
        %add3A_306 = arith.addi %mul3A_138, %scan3A_276 : i32
        %swap3A_307 = arith.index_cast %add3A_306 : i32 to index
        %swap3A_308 = arith.constant 32 : index
        %swap3A_309 = tpu.vector_load %arg13[%swap3A_307, %swap3A_308] {strides = array<i32>} : memref<96x512xf32, #tpu.memory_space<vmem>>, vector<1x16xf32>,
        %swap3A_310 = vector.shape_cast %swap3A_309 : vector<1x16xf32> to vector<16xf32>
        %swap3A_311 = vector.shape_cast %mul3A_305 : vector<16xf32> to vector<1x16xf32>
        tpu.vector_store %arg13[%swap3A_307, %swap3A_308], %swap3A_311 {strides = array<i32>} : memref<96x512xf32, #tpu.memory_space<vmem>>, vector<1x16xf32>,
        %add3A_312 = arith.addi %mul3A_138, %scan3A_276 : i32
        %get3A_313 = arith.index_cast %add3A_312 : i32 to index
        %get3A_314 = arith.constant 48 : index
        %get3A_315 = tpu.vector_load %arg13[%get3A_313, %get3A_314] {strides = array<i32>} : memref<96x512xf32, #tpu.memory_space<vmem>>, vector<1x16xf32>,
        %get3A_316 = vector.shape_cast %get3A_315 : vector<1x16xf32> to vector<16xf32>
        %mul3A_317 = arith.mulf %get3A_316, %get3A_162 : vector<16xf32>
        %add3A_318 = arith.addi %mul3A_138, %scan3A_276 : i32
        %swap3A_319 = arith.index_cast %add3A_318 : i32 to index
        %swap3A_320 = arith.constant 48 : index
        %swap3A_321 = tpu.vector_load %arg13[%swap3A_319, %swap3A_320] {strides = array<i32>} : memref<96x512xf32, #tpu.memory_space<vmem>>, vector<1x16xf32>,
        %swap3A_322 = vector.shape_cast %swap3A_321 : vector<1x16xf32> to vector<16xf32>
        %swap3A_323 = vector.shape_cast %mul3A_317 : vector<16xf32> to vector<1x16xf32>
        tpu.vector_store %arg13[%swap3A_319, %swap3A_320], %swap3A_323 {strides = array<i32>} : memref<96x512xf32, #tpu.memory_space<vmem>>, vector<1x16xf32>,
        %add3A_324 = arith.addi %mul3A_138, %scan3A_276 : i32
        %get3A_325 = arith.index_cast %add3A_324 : i32 to index
        %get3A_326 = arith.constant 64 : index
        %get3A_327 = tpu.vector_load %arg13[%get3A_325, %get3A_326] {strides = array<i32>} : memref<96x512xf32, #tpu.memory_space<vmem>>, vector<1x16xf32>,
        %get3A_328 = vector.shape_cast %get3A_327 : vector<1x16xf32> to vector<16xf32>
        %mul3A_329 = arith.mulf %get3A_328, %get3A_165 : vector<16xf32>
        %add3A_330 = arith.addi %mul3A_138, %scan3A_276 : i32
        %swap3A_331 = arith.index_cast %add3A_330 : i32 to index
        %swap3A_332 = arith.constant 64 : index
        %swap3A_333 = tpu.vector_load %arg13[%swap3A_331, %swap3A_332] {strides = array<i32>} : memref<96x512xf32, #tpu.memory_space<vmem>>, vector<1x16xf32>,
        %swap3A_334 = vector.shape_cast %swap3A_333 : vector<1x16xf32> to vector<16xf32>
        %swap3A_335 = vector.shape_cast %mul3A_329 : vector<16xf32> to vector<1x16xf32>
        tpu.vector_store %arg13[%swap3A_331, %swap3A_332], %swap3A_335 {strides = array<i32>} : memref<96x512xf32, #tpu.memory_space<vmem>>, vector<1x16xf32>,
        %add3A_336 = arith.addi %mul3A_138, %scan3A_276 : i32
        %get3A_337 = arith.index_cast %add3A_336 : i32 to index
        %get3A_338 = arith.constant 80 : index
        %get3A_339 = tpu.vector_load %arg13[%get3A_337, %get3A_338] {strides = array<i32>} : memref<96x512xf32, #tpu.memory_space<vmem>>, vector<1x16xf32>,
        %get3A_340 = vector.shape_cast %get3A_339 : vector<1x16xf32> to vector<16xf32>
        %mul3A_341 = arith.mulf %get3A_340, %get3A_168 : vector<16xf32>
        %add3A_342 = arith.addi %mul3A_138, %scan3A_276 : i32
        %swap3A_343 = arith.index_cast %add3A_342 : i32 to index
        %swap3A_344 = arith.constant 80 : index
        %swap3A_345 = tpu.vector_load %arg13[%swap3A_343, %swap3A_344] {strides = array<i32>} : memref<96x512xf32, #tpu.memory_space<vmem>>, vector<1x16xf32>,
        %swap3A_346 = vector.shape_cast %swap3A_345 : vector<1x16xf32> to vector<16xf32>
        %swap3A_347 = vector.shape_cast %mul3A_341 : vector<16xf32> to vector<1x16xf32>
        tpu.vector_store %arg13[%swap3A_343, %swap3A_344], %swap3A_347 {strides = array<i32>} : memref<96x512xf32, #tpu.memory_space<vmem>>, vector<1x16xf32>,
        %add3A_348 = arith.addi %mul3A_138, %scan3A_276 : i32
        %get3A_349 = arith.index_cast %add3A_348 : i32 to index
        %get3A_350 = arith.constant 96 : index
        %get3A_351 = tpu.vector_load %arg13[%get3A_349, %get3A_350] {strides = array<i32>} : memref<96x512xf32, #tpu.memory_space<vmem>>, vector<1x16xf32>,
        %get3A_352 = vector.shape_cast %get3A_351 : vector<1x16xf32> to vector<16xf32>
        %mul3A_353 = arith.mulf %get3A_352, %get3A_171 : vector<16xf32>
        %add3A_354 = arith.addi %mul3A_138, %scan3A_276 : i32
        %swap3A_355 = arith.index_cast %add3A_354 : i32 to index
        %swap3A_356 = arith.constant 96 : index
        %swap3A_357 = tpu.vector_load %arg13[%swap3A_355, %swap3A_356] {strides = array<i32>} : memref<96x512xf32, #tpu.memory_space<vmem>>, vector<1x16xf32>,
        %swap3A_358 = vector.shape_cast %swap3A_357 : vector<1x16xf32> to vector<16xf32>
        %swap3A_359 = vector.shape_cast %mul3A_353 : vector<16xf32> to vector<1x16xf32>
        tpu.vector_store %arg13[%swap3A_355, %swap3A_356], %swap3A_359 {strides = array<i32>} : memref<96x512xf32, #tpu.memory_space<vmem>>, vector<1x16xf32>,
        %add3A_360 = arith.addi %mul3A_138, %scan3A_276 : i32
        %get3A_361 = arith.index_cast %add3A_360 : i32 to index
        %get3A_362 = arith.constant 112 : index
        %get3A_363 = tpu.vector_load %arg13[%get3A_361, %get3A_362] {strides = array<i32>} : memref<96x512xf32, #tpu.memory_space<vmem>>, vector<1x16xf32>,
        %get3A_364 = vector.shape_cast %get3A_363 : vector<1x16xf32> to vector<16xf32>
        %mul3A_365 = arith.mulf %get3A_364, %get3A_174 : vector<16xf32>
        %add3A_366 = arith.addi %mul3A_138, %scan3A_276 : i32
        %swap3A_367 = arith.index_cast %add3A_366 : i32 to index
        %swap3A_368 = arith.constant 112 : index
        %swap3A_369 = tpu.vector_load %arg13[%swap3A_367, %swap3A_368] {strides = array<i32>} : memref<96x512xf32, #tpu.memory_space<vmem>>, vector<1x16xf32>,
        %swap3A_370 = vector.shape_cast %swap3A_369 : vector<1x16xf32> to vector<16xf32>
        %swap3A_371 = vector.shape_cast %mul3A_365 : vector<16xf32> to vector<1x16xf32>
        tpu.vector_store %arg13[%swap3A_367, %swap3A_368], %swap3A_371 {strides = array<i32>} : memref<96x512xf32, #tpu.memory_space<vmem>>, vector<1x16xf32>,
        %add3A_372 = arith.addi %mul3A_138, %scan3A_276 : i32
        %get3A_373 = arith.index_cast %add3A_372 : i32 to index
        %get3A_374 = arith.constant 128 : index
        %get3A_375 = tpu.vector_load %arg13[%get3A_373, %get3A_374] {strides = array<i32>} : memref<96x512xf32, #tpu.memory_space<vmem>>, vector<1x16xf32>,
        %get3A_376 = vector.shape_cast %get3A_375 : vector<1x16xf32> to vector<16xf32>
        %mul3A_377 = arith.mulf %get3A_376, %get3A_177 : vector<16xf32>
        %add3A_378 = arith.addi %mul3A_138, %scan3A_276 : i32
        %swap3A_379 = arith.index_cast %add3A_378 : i32 to index
        %swap3A_380 = arith.constant 128 : index
        %swap3A_381 = tpu.vector_load %arg13[%swap3A_379, %swap3A_380] {strides = array<i32>} : memref<96x512xf32, #tpu.memory_space<vmem>>, vector<1x16xf32>,
        %swap3A_382 = vector.shape_cast %swap3A_381 : vector<1x16xf32> to vector<16xf32>
        %swap3A_383 = vector.shape_cast %mul3A_377 : vector<16xf32> to vector<1x16xf32>
        tpu.vector_store %arg13[%swap3A_379, %swap3A_380], %swap3A_383 {strides = array<i32>} : memref<96x512xf32, #tpu.memory_space<vmem>>, vector<1x16xf32>,
        %add3A_384 = arith.addi %mul3A_138, %scan3A_276 : i32
        %get3A_385 = arith.index_cast %add3A_384 : i32 to index
        %get3A_386 = arith.constant 144 : index
        %get3A_387 = tpu.vector_load %arg13[%get3A_385, %get3A_386] {strides = array<i32>} : memref<96x512xf32, #tpu.memory_space<vmem>>, vector<1x16xf32>,
        %get3A_388 = vector.shape_cast %get3A_387 : vector<1x16xf32> to vector<16xf32>
        %mul3A_389 = arith.mulf %get3A_388, %get3A_180 : vector<16xf32>
        %add3A_390 = arith.addi %mul3A_138, %scan3A_276 : i32
        %swap3A_391 = arith.index_cast %add3A_390 : i32 to index
        %swap3A_392 = arith.constant 144 : index
        %swap3A_393 = tpu.vector_load %arg13[%swap3A_391, %swap3A_392] {strides = array<i32>} : memref<96x512xf32, #tpu.memory_space<vmem>>, vector<1x16xf32>,
        %swap3A_394 = vector.shape_cast %swap3A_393 : vector<1x16xf32> to vector<16xf32>
        %swap3A_395 = vector.shape_cast %mul3A_389 : vector<16xf32> to vector<1x16xf32>
        tpu.vector_store %arg13[%swap3A_391, %swap3A_392], %swap3A_395 {strides = array<i32>} : memref<96x512xf32, #tpu.memory_space<vmem>>, vector<1x16xf32>,
        %add3A_396 = arith.addi %mul3A_138, %scan3A_276 : i32
        %get3A_397 = arith.index_cast %add3A_396 : i32 to index
        %get3A_398 = arith.constant 160 : index
        %get3A_399 = tpu.vector_load %arg13[%get3A_397, %get3A_398] {strides = array<i32>} : memref<96x512xf32, #tpu.memory_space<vmem>>, vector<1x16xf32>,
        %get3A_400 = vector.shape_cast %get3A_399 : vector<1x16xf32> to vector<16xf32>
        %mul3A_401 = arith.mulf %get3A_400, %get3A_183 : vector<16xf32>
        %add3A_402 = arith.addi %mul3A_138, %scan3A_276 : i32
        %swap3A_403 = arith.index_cast %add3A_402 : i32 to index
        %swap3A_404 = arith.constant 160 : index
        %swap3A_405 = tpu.vector_load %arg13[%swap3A_403, %swap3A_404] {strides = array<i32>} : memref<96x512xf32, #tpu.memory_space<vmem>>, vector<1x16xf32>,
        %swap3A_406 = vector.shape_cast %swap3A_405 : vector<1x16xf32> to vector<16xf32>
        %swap3A_407 = vector.shape_cast %mul3A_401 : vector<16xf32> to vector<1x16xf32>
        tpu.vector_store %arg13[%swap3A_403, %swap3A_404], %swap3A_407 {strides = array<i32>} : memref<96x512xf32, #tpu.memory_space<vmem>>, vector<1x16xf32>,
        %add3A_408 = arith.addi %mul3A_138, %scan3A_276 : i32
        %get3A_409 = arith.index_cast %add3A_408 : i32 to index
        %get3A_410 = arith.constant 176 : index
        %get3A_411 = tpu.vector_load %arg13[%get3A_409, %get3A_410] {strides = array<i32>} : memref<96x512xf32, #tpu.memory_space<vmem>>, vector<1x16xf32>,
        %get3A_412 = vector.shape_cast %get3A_411 : vector<1x16xf32> to vector<16xf32>
        %mul3A_413 = arith.mulf %get3A_412, %get3A_186 : vector<16xf32>
        %add3A_414 = arith.addi %mul3A_138, %scan3A_276 : i32
        %swap3A_415 = arith.index_cast %add3A_414 : i32 to index
        %swap3A_416 = arith.constant 176 : index
        %swap3A_417 = tpu.vector_load %arg13[%swap3A_415, %swap3A_416] {strides = array<i32>} : memref<96x512xf32, #tpu.memory_space<vmem>>, vector<1x16xf32>,
        %swap3A_418 = vector.shape_cast %swap3A_417 : vector<1x16xf32> to vector<16xf32>
        %swap3A_419 = vector.shape_cast %mul3A_413 : vector<16xf32> to vector<1x16xf32>
        tpu.vector_store %arg13[%swap3A_415, %swap3A_416], %swap3A_419 {strides = array<i32>} : memref<96x512xf32, #tpu.memory_space<vmem>>, vector<1x16xf32>,
        %add3A_420 = arith.addi %mul3A_138, %scan3A_276 : i32
        %get3A_421 = arith.index_cast %add3A_420 : i32 to index
        %get3A_422 = arith.constant 192 : index
        %get3A_423 = tpu.vector_load %arg13[%get3A_421, %get3A_422] {strides = array<i32>} : memref<96x512xf32, #tpu.memory_space<vmem>>, vector<1x16xf32>,
        %get3A_424 = vector.shape_cast %get3A_423 : vector<1x16xf32> to vector<16xf32>
        %mul3A_425 = arith.mulf %get3A_424, %get3A_189 : vector<16xf32>
        %add3A_426 = arith.addi %mul3A_138, %scan3A_276 : i32
        %swap3A_427 = arith.index_cast %add3A_426 : i32 to index
        %swap3A_428 = arith.constant 192 : index
        %swap3A_429 = tpu.vector_load %arg13[%swap3A_427, %swap3A_428] {strides = array<i32>} : memref<96x512xf32, #tpu.memory_space<vmem>>, vector<1x16xf32>,
        %swap3A_430 = vector.shape_cast %swap3A_429 : vector<1x16xf32> to vector<16xf32>
        %swap3A_431 = vector.shape_cast %mul3A_425 : vector<16xf32> to vector<1x16xf32>
        tpu.vector_store %arg13[%swap3A_427, %swap3A_428], %swap3A_431 {strides = array<i32>} : memref<96x512xf32, #tpu.memory_space<vmem>>, vector<1x16xf32>,
        %add3A_432 = arith.addi %mul3A_138, %scan3A_276 : i32
        %get3A_433 = arith.index_cast %add3A_432 : i32 to index
        %get3A_434 = arith.constant 208 : index
        %get3A_435 = tpu.vector_load %arg13[%get3A_433, %get3A_434] {strides = array<i32>} : memref<96x512xf32, #tpu.memory_space<vmem>>, vector<1x16xf32>,
        %get3A_436 = vector.shape_cast %get3A_435 : vector<1x16xf32> to vector<16xf32>
        %mul3A_437 = arith.mulf %get3A_436, %get3A_192 : vector<16xf32>
        %add3A_438 = arith.addi %mul3A_138, %scan3A_276 : i32
        %swap3A_439 = arith.index_cast %add3A_438 : i32 to index
        %swap3A_440 = arith.constant 208 : index
        %swap3A_441 = tpu.vector_load %arg13[%swap3A_439, %swap3A_440] {strides = array<i32>} : memref<96x512xf32, #tpu.memory_space<vmem>>, vector<1x16xf32>,
        %swap3A_442 = vector.shape_cast %swap3A_441 : vector<1x16xf32> to vector<16xf32>
        %swap3A_443 = vector.shape_cast %mul3A_437 : vector<16xf32> to vector<1x16xf32>
        tpu.vector_store %arg13[%swap3A_439, %swap3A_440], %swap3A_443 {strides = array<i32>} : memref<96x512xf32, #tpu.memory_space<vmem>>, vector<1x16xf32>,
        %add3A_444 = arith.addi %mul3A_138, %scan3A_276 : i32
        %get3A_445 = arith.index_cast %add3A_444 : i32 to index
        %get3A_446 = arith.constant 224 : index
        %get3A_447 = tpu.vector_load %arg13[%get3A_445, %get3A_446] {strides = array<i32>} : memref<96x512xf32, #tpu.memory_space<vmem>>, vector<1x16xf32>,
        %get3A_448 = vector.shape_cast %get3A_447 : vector<1x16xf32> to vector<16xf32>
        %mul3A_449 = arith.mulf %get3A_448, %get3A_195 : vector<16xf32>
        %add3A_450 = arith.addi %mul3A_138, %scan3A_276 : i32
        %swap3A_451 = arith.index_cast %add3A_450 : i32 to index
        %swap3A_452 = arith.constant 224 : index
        %swap3A_453 = tpu.vector_load %arg13[%swap3A_451, %swap3A_452] {strides = array<i32>} : memref<96x512xf32, #tpu.memory_space<vmem>>, vector<1x16xf32>,
        %swap3A_454 = vector.shape_cast %swap3A_453 : vector<1x16xf32> to vector<16xf32>
        %swap3A_455 = vector.shape_cast %mul3A_449 : vector<16xf32> to vector<1x16xf32>
        tpu.vector_store %arg13[%swap3A_451, %swap3A_452], %swap3A_455 {strides = array<i32>} : memref<96x512xf32, #tpu.memory_space<vmem>>, vector<1x16xf32>,
        %add3A_456 = arith.addi %mul3A_138, %scan3A_276 : i32
        %get3A_457 = arith.index_cast %add3A_456 : i32 to index
        %get3A_458 = arith.constant 240 : index
        %get3A_459 = tpu.vector_load %arg13[%get3A_457, %get3A_458] {strides = array<i32>} : memref<96x512xf32, #tpu.memory_space<vmem>>, vector<1x16xf32>,
        %get3A_460 = vector.shape_cast %get3A_459 : vector<1x16xf32> to vector<16xf32>
        %mul3A_461 = arith.mulf %get3A_460, %get3A_198 : vector<16xf32>
        %add3A_462 = arith.addi %mul3A_138, %scan3A_276 : i32
        %swap3A_463 = arith.index_cast %add3A_462 : i32 to index
        %swap3A_464 = arith.constant 240 : index
        %swap3A_465 = tpu.vector_load %arg13[%swap3A_463, %swap3A_464] {strides = array<i32>} : memref<96x512xf32, #tpu.memory_space<vmem>>, vector<1x16xf32>,
        %swap3A_466 = vector.shape_cast %swap3A_465 : vector<1x16xf32> to vector<16xf32>
        %swap3A_467 = vector.shape_cast %mul3A_461 : vector<16xf32> to vector<1x16xf32>
        tpu.vector_store %arg13[%swap3A_463, %swap3A_464], %swap3A_467 {strides = array<i32>} : memref<96x512xf32, #tpu.memory_space<vmem>>, vector<1x16xf32>,
        %add3A_468 = arith.addi %mul3A_138, %scan3A_276 : i32
        %get3A_469 = arith.index_cast %add3A_468 : i32 to index
        %get3A_470 = arith.constant 256 : index
        %get3A_471 = tpu.vector_load %arg13[%get3A_469, %get3A_470] {strides = array<i32>} : memref<96x512xf32, #tpu.memory_space<vmem>>, vector<1x16xf32>,
        %get3A_472 = vector.shape_cast %get3A_471 : vector<1x16xf32> to vector<16xf32>
        %mul3A_473 = arith.mulf %get3A_472, %get3A_201 : vector<16xf32>
        %add3A_474 = arith.addi %mul3A_138, %scan3A_276 : i32
        %swap3A_475 = arith.index_cast %add3A_474 : i32 to index
        %swap3A_476 = arith.constant 256 : index
        %swap3A_477 = tpu.vector_load %arg13[%swap3A_475, %swap3A_476] {strides = array<i32>} : memref<96x512xf32, #tpu.memory_space<vmem>>, vector<1x16xf32>,
        %swap3A_478 = vector.shape_cast %swap3A_477 : vector<1x16xf32> to vector<16xf32>
        %swap3A_479 = vector.shape_cast %mul3A_473 : vector<16xf32> to vector<1x16xf32>
        tpu.vector_store %arg13[%swap3A_475, %swap3A_476], %swap3A_479 {strides = array<i32>} : memref<96x512xf32, #tpu.memory_space<vmem>>, vector<1x16xf32>,
        %add3A_480 = arith.addi %mul3A_138, %scan3A_276 : i32
        %get3A_481 = arith.index_cast %add3A_480 : i32 to index
        %get3A_482 = arith.constant 272 : index
        %get3A_483 = tpu.vector_load %arg13[%get3A_481, %get3A_482] {strides = array<i32>} : memref<96x512xf32, #tpu.memory_space<vmem>>, vector<1x16xf32>,
        %get3A_484 = vector.shape_cast %get3A_483 : vector<1x16xf32> to vector<16xf32>
        %mul3A_485 = arith.mulf %get3A_484, %get3A_204 : vector<16xf32>
        %add3A_486 = arith.addi %mul3A_138, %scan3A_276 : i32
        %swap3A_487 = arith.index_cast %add3A_486 : i32 to index
        %swap3A_488 = arith.constant 272 : index
        %swap3A_489 = tpu.vector_load %arg13[%swap3A_487, %swap3A_488] {strides = array<i32>} : memref<96x512xf32, #tpu.memory_space<vmem>>, vector<1x16xf32>,
        %swap3A_490 = vector.shape_cast %swap3A_489 : vector<1x16xf32> to vector<16xf32>
        %swap3A_491 = vector.shape_cast %mul3A_485 : vector<16xf32> to vector<1x16xf32>
        tpu.vector_store %arg13[%swap3A_487, %swap3A_488], %swap3A_491 {strides = array<i32>} : memref<96x512xf32, #tpu.memory_space<vmem>>, vector<1x16xf32>,
        %add3A_492 = arith.addi %mul3A_138, %scan3A_276 : i32
        %get3A_493 = arith.index_cast %add3A_492 : i32 to index
        %get3A_494 = arith.constant 288 : index
        %get3A_495 = tpu.vector_load %arg13[%get3A_493, %get3A_494] {strides = array<i32>} : memref<96x512xf32, #tpu.memory_space<vmem>>, vector<1x16xf32>,
        %get3A_496 = vector.shape_cast %get3A_495 : vector<1x16xf32> to vector<16xf32>
        %mul3A_497 = arith.mulf %get3A_496, %get3A_207 : vector<16xf32>
        %add3A_498 = arith.addi %mul3A_138, %scan3A_276 : i32
        %swap3A_499 = arith.index_cast %add3A_498 : i32 to index
        %swap3A_500 = arith.constant 288 : index
        %swap3A_501 = tpu.vector_load %arg13[%swap3A_499, %swap3A_500] {strides = array<i32>} : memref<96x512xf32, #tpu.memory_space<vmem>>, vector<1x16xf32>,
        %swap3A_502 = vector.shape_cast %swap3A_501 : vector<1x16xf32> to vector<16xf32>
        %swap3A_503 = vector.shape_cast %mul3A_497 : vector<16xf32> to vector<1x16xf32>
        tpu.vector_store %arg13[%swap3A_499, %swap3A_500], %swap3A_503 {strides = array<i32>} : memref<96x512xf32, #tpu.memory_space<vmem>>, vector<1x16xf32>,
        %add3A_504 = arith.addi %mul3A_138, %scan3A_276 : i32
        %get3A_505 = arith.index_cast %add3A_504 : i32 to index
        %get3A_506 = arith.constant 304 : index
        %get3A_507 = tpu.vector_load %arg13[%get3A_505, %get3A_506] {strides = array<i32>} : memref<96x512xf32, #tpu.memory_space<vmem>>, vector<1x16xf32>,
        %get3A_508 = vector.shape_cast %get3A_507 : vector<1x16xf32> to vector<16xf32>
        %mul3A_509 = arith.mulf %get3A_508, %get3A_210 : vector<16xf32>
        %add3A_510 = arith.addi %mul3A_138, %scan3A_276 : i32
        %swap3A_511 = arith.index_cast %add3A_510 : i32 to index
        %swap3A_512 = arith.constant 304 : index
        %swap3A_513 = tpu.vector_load %arg13[%swap3A_511, %swap3A_512] {strides = array<i32>} : memref<96x512xf32, #tpu.memory_space<vmem>>, vector<1x16xf32>,
        %swap3A_514 = vector.shape_cast %swap3A_513 : vector<1x16xf32> to vector<16xf32>
        %swap3A_515 = vector.shape_cast %mul3A_509 : vector<16xf32> to vector<1x16xf32>
        tpu.vector_store %arg13[%swap3A_511, %swap3A_512], %swap3A_515 {strides = array<i32>} : memref<96x512xf32, #tpu.memory_space<vmem>>, vector<1x16xf32>,
        %add3A_516 = arith.addi %mul3A_138, %scan3A_276 : i32
        %get3A_517 = arith.index_cast %add3A_516 : i32 to index
        %get3A_518 = arith.constant 320 : index
        %get3A_519 = tpu.vector_load %arg13[%get3A_517, %get3A_518] {strides = array<i32>} : memref<96x512xf32, #tpu.memory_space<vmem>>, vector<1x16xf32>,
        %get3A_520 = vector.shape_cast %get3A_519 : vector<1x16xf32> to vector<16xf32>
        %mul3A_521 = arith.mulf %get3A_520, %get3A_213 : vector<16xf32>
        %add3A_522 = arith.addi %mul3A_138, %scan3A_276 : i32
        %swap3A_523 = arith.index_cast %add3A_522 : i32 to index
        %swap3A_524 = arith.constant 320 : index
        %swap3A_525 = tpu.vector_load %arg13[%swap3A_523, %swap3A_524] {strides = array<i32>} : memref<96x512xf32, #tpu.memory_space<vmem>>, vector<1x16xf32>,
        %swap3A_526 = vector.shape_cast %swap3A_525 : vector<1x16xf32> to vector<16xf32>
        %swap3A_527 = vector.shape_cast %mul3A_521 : vector<16xf32> to vector<1x16xf32>
        tpu.vector_store %arg13[%swap3A_523, %swap3A_524], %swap3A_527 {strides = array<i32>} : memref<96x512xf32, #tpu.memory_space<vmem>>, vector<1x16xf32>,
        %add3A_528 = arith.addi %mul3A_138, %scan3A_276 : i32
        %get3A_529 = arith.index_cast %add3A_528 : i32 to index
        %get3A_530 = arith.constant 336 : index
        %get3A_531 = tpu.vector_load %arg13[%get3A_529, %get3A_530] {strides = array<i32>} : memref<96x512xf32, #tpu.memory_space<vmem>>, vector<1x16xf32>,
        %get3A_532 = vector.shape_cast %get3A_531 : vector<1x16xf32> to vector<16xf32>
        %mul3A_533 = arith.mulf %get3A_532, %get3A_216 : vector<16xf32>
        %add3A_534 = arith.addi %mul3A_138, %scan3A_276 : i32
        %swap3A_535 = arith.index_cast %add3A_534 : i32 to index
        %swap3A_536 = arith.constant 336 : index
        %swap3A_537 = tpu.vector_load %arg13[%swap3A_535, %swap3A_536] {strides = array<i32>} : memref<96x512xf32, #tpu.memory_space<vmem>>, vector<1x16xf32>,
        %swap3A_538 = vector.shape_cast %swap3A_537 : vector<1x16xf32> to vector<16xf32>
        %swap3A_539 = vector.shape_cast %mul3A_533 : vector<16xf32> to vector<1x16xf32>
        tpu.vector_store %arg13[%swap3A_535, %swap3A_536], %swap3A_539 {strides = array<i32>} : memref<96x512xf32, #tpu.memory_space<vmem>>, vector<1x16xf32>,
        %add3A_540 = arith.addi %mul3A_138, %scan3A_276 : i32
        %get3A_541 = arith.index_cast %add3A_540 : i32 to index
        %get3A_542 = arith.constant 352 : index
        %get3A_543 = tpu.vector_load %arg13[%get3A_541, %get3A_542] {strides = array<i32>} : memref<96x512xf32, #tpu.memory_space<vmem>>, vector<1x16xf32>,
        %get3A_544 = vector.shape_cast %get3A_543 : vector<1x16xf32> to vector<16xf32>
        %mul3A_545 = arith.mulf %get3A_544, %get3A_219 : vector<16xf32>
        %add3A_546 = arith.addi %mul3A_138, %scan3A_276 : i32
        %swap3A_547 = arith.index_cast %add3A_546 : i32 to index
        %swap3A_548 = arith.constant 352 : index
        %swap3A_549 = tpu.vector_load %arg13[%swap3A_547, %swap3A_548] {strides = array<i32>} : memref<96x512xf32, #tpu.memory_space<vmem>>, vector<1x16xf32>,
        %swap3A_550 = vector.shape_cast %swap3A_549 : vector<1x16xf32> to vector<16xf32>
        %swap3A_551 = vector.shape_cast %mul3A_545 : vector<16xf32> to vector<1x16xf32>
        tpu.vector_store %arg13[%swap3A_547, %swap3A_548], %swap3A_551 {strides = array<i32>} : memref<96x512xf32, #tpu.memory_space<vmem>>, vector<1x16xf32>,
        %add3A_552 = arith.addi %mul3A_138, %scan3A_276 : i32
        %get3A_553 = arith.index_cast %add3A_552 : i32 to index
        %get3A_554 = arith.constant 368 : index
        %get3A_555 = tpu.vector_load %arg13[%get3A_553, %get3A_554] {strides = array<i32>} : memref<96x512xf32, #tpu.memory_space<vmem>>, vector<1x16xf32>,
        %get3A_556 = vector.shape_cast %get3A_555 : vector<1x16xf32> to vector<16xf32>
        %mul3A_557 = arith.mulf %get3A_556, %get3A_222 : vector<16xf32>
        %add3A_558 = arith.addi %mul3A_138, %scan3A_276 : i32
        %swap3A_559 = arith.index_cast %add3A_558 : i32 to index
        %swap3A_560 = arith.constant 368 : index
        %swap3A_561 = tpu.vector_load %arg13[%swap3A_559, %swap3A_560] {strides = array<i32>} : memref<96x512xf32, #tpu.memory_space<vmem>>, vector<1x16xf32>,
        %swap3A_562 = vector.shape_cast %swap3A_561 : vector<1x16xf32> to vector<16xf32>
        %swap3A_563 = vector.shape_cast %mul3A_557 : vector<16xf32> to vector<1x16xf32>
        tpu.vector_store %arg13[%swap3A_559, %swap3A_560], %swap3A_563 {strides = array<i32>} : memref<96x512xf32, #tpu.memory_space<vmem>>, vector<1x16xf32>,
        %add3A_564 = arith.addi %mul3A_138, %scan3A_276 : i32
        %get3A_565 = arith.index_cast %add3A_564 : i32 to index
        %get3A_566 = arith.constant 384 : index
        %get3A_567 = tpu.vector_load %arg13[%get3A_565, %get3A_566] {strides = array<i32>} : memref<96x512xf32, #tpu.memory_space<vmem>>, vector<1x16xf32>,
        %get3A_568 = vector.shape_cast %get3A_567 : vector<1x16xf32> to vector<16xf32>
        %mul3A_569 = arith.mulf %get3A_568, %get3A_225 : vector<16xf32>
        %add3A_570 = arith.addi %mul3A_138, %scan3A_276 : i32
        %swap3A_571 = arith.index_cast %add3A_570 : i32 to index
        %swap3A_572 = arith.constant 384 : index
        %swap3A_573 = tpu.vector_load %arg13[%swap3A_571, %swap3A_572] {strides = array<i32>} : memref<96x512xf32, #tpu.memory_space<vmem>>, vector<1x16xf32>,
        %swap3A_574 = vector.shape_cast %swap3A_573 : vector<1x16xf32> to vector<16xf32>
        %swap3A_575 = vector.shape_cast %mul3A_569 : vector<16xf32> to vector<1x16xf32>
        tpu.vector_store %arg13[%swap3A_571, %swap3A_572], %swap3A_575 {strides = array<i32>} : memref<96x512xf32, #tpu.memory_space<vmem>>, vector<1x16xf32>,
        %add3A_576 = arith.addi %mul3A_138, %scan3A_276 : i32
        %get3A_577 = arith.index_cast %add3A_576 : i32 to index
        %get3A_578 = arith.constant 400 : index
        %get3A_579 = tpu.vector_load %arg13[%get3A_577, %get3A_578] {strides = array<i32>} : memref<96x512xf32, #tpu.memory_space<vmem>>, vector<1x16xf32>,
        %get3A_580 = vector.shape_cast %get3A_579 : vector<1x16xf32> to vector<16xf32>
        %mul3A_581 = arith.mulf %get3A_580, %get3A_228 : vector<16xf32>
        %add3A_582 = arith.addi %mul3A_138, %scan3A_276 : i32
        %swap3A_583 = arith.index_cast %add3A_582 : i32 to index
        %swap3A_584 = arith.constant 400 : index
        %swap3A_585 = tpu.vector_load %arg13[%swap3A_583, %swap3A_584] {strides = array<i32>} : memref<96x512xf32, #tpu.memory_space<vmem>>, vector<1x16xf32>,
        %swap3A_586 = vector.shape_cast %swap3A_585 : vector<1x16xf32> to vector<16xf32>
        %swap3A_587 = vector.shape_cast %mul3A_581 : vector<16xf32> to vector<1x16xf32>
        tpu.vector_store %arg13[%swap3A_583, %swap3A_584], %swap3A_587 {strides = array<i32>} : memref<96x512xf32, #tpu.memory_space<vmem>>, vector<1x16xf32>,
        %add3A_588 = arith.addi %mul3A_138, %scan3A_276 : i32
        %get3A_589 = arith.index_cast %add3A_588 : i32 to index
        %get3A_590 = arith.constant 416 : index
        %get3A_591 = tpu.vector_load %arg13[%get3A_589, %get3A_590] {strides = array<i32>} : memref<96x512xf32, #tpu.memory_space<vmem>>, vector<1x16xf32>,
        %get3A_592 = vector.shape_cast %get3A_591 : vector<1x16xf32> to vector<16xf32>
        %mul3A_593 = arith.mulf %get3A_592, %get3A_231 : vector<16xf32>
        %add3A_594 = arith.addi %mul3A_138, %scan3A_276 : i32
        %swap3A_595 = arith.index_cast %add3A_594 : i32 to index
        %swap3A_596 = arith.constant 416 : index
        %swap3A_597 = tpu.vector_load %arg13[%swap3A_595, %swap3A_596] {strides = array<i32>} : memref<96x512xf32, #tpu.memory_space<vmem>>, vector<1x16xf32>,
        %swap3A_598 = vector.shape_cast %swap3A_597 : vector<1x16xf32> to vector<16xf32>
        %swap3A_599 = vector.shape_cast %mul3A_593 : vector<16xf32> to vector<1x16xf32>
        tpu.vector_store %arg13[%swap3A_595, %swap3A_596], %swap3A_599 {strides = array<i32>} : memref<96x512xf32, #tpu.memory_space<vmem>>, vector<1x16xf32>,
        %add3A_600 = arith.addi %mul3A_138, %scan3A_276 : i32
        %get3A_601 = arith.index_cast %add3A_600 : i32 to index
        %get3A_602 = arith.constant 432 : index
        %get3A_603 = tpu.vector_load %arg13[%get3A_601, %get3A_602] {strides = array<i32>} : memref<96x512xf32, #tpu.memory_space<vmem>>, vector<1x16xf32>,
        %get3A_604 = vector.shape_cast %get3A_603 : vector<1x16xf32> to vector<16xf32>
        %mul3A_605 = arith.mulf %get3A_604, %get3A_234 : vector<16xf32>
        %add3A_606 = arith.addi %mul3A_138, %scan3A_276 : i32
        %swap3A_607 = arith.index_cast %add3A_606 : i32 to index
        %swap3A_608 = arith.constant 432 : index
        %swap3A_609 = tpu.vector_load %arg13[%swap3A_607, %swap3A_608] {strides = array<i32>} : memref<96x512xf32, #tpu.memory_space<vmem>>, vector<1x16xf32>,
        %swap3A_610 = vector.shape_cast %swap3A_609 : vector<1x16xf32> to vector<16xf32>
        %swap3A_611 = vector.shape_cast %mul3A_605 : vector<16xf32> to vector<1x16xf32>
        tpu.vector_store %arg13[%swap3A_607, %swap3A_608], %swap3A_611 {strides = array<i32>} : memref<96x512xf32, #tpu.memory_space<vmem>>, vector<1x16xf32>,
        %add3A_612 = arith.addi %mul3A_138, %scan3A_276 : i32
        %get3A_613 = arith.index_cast %add3A_612 : i32 to index
        %get3A_614 = arith.constant 448 : index
        %get3A_615 = tpu.vector_load %arg13[%get3A_613, %get3A_614] {strides = array<i32>} : memref<96x512xf32, #tpu.memory_space<vmem>>, vector<1x16xf32>,
        %get3A_616 = vector.shape_cast %get3A_615 : vector<1x16xf32> to vector<16xf32>
        %mul3A_617 = arith.mulf %get3A_616, %get3A_237 : vector<16xf32>
        %add3A_618 = arith.addi %mul3A_138, %scan3A_276 : i32
        %swap3A_619 = arith.index_cast %add3A_618 : i32 to index
        %swap3A_620 = arith.constant 448 : index
        %swap3A_621 = tpu.vector_load %arg13[%swap3A_619, %swap3A_620] {strides = array<i32>} : memref<96x512xf32, #tpu.memory_space<vmem>>, vector<1x16xf32>,
        %swap3A_622 = vector.shape_cast %swap3A_621 : vector<1x16xf32> to vector<16xf32>
        %swap3A_623 = vector.shape_cast %mul3A_617 : vector<16xf32> to vector<1x16xf32>
        tpu.vector_store %arg13[%swap3A_619, %swap3A_620], %swap3A_623 {strides = array<i32>} : memref<96x512xf32, #tpu.memory_space<vmem>>, vector<1x16xf32>,
        %add3A_624 = arith.addi %mul3A_138, %scan3A_276 : i32
        %get3A_625 = arith.index_cast %add3A_624 : i32 to index
        %get3A_626 = arith.constant 464 : index
        %get3A_627 = tpu.vector_load %arg13[%get3A_625, %get3A_626] {strides = array<i32>} : memref<96x512xf32, #tpu.memory_space<vmem>>, vector<1x16xf32>,
        %get3A_628 = vector.shape_cast %get3A_627 : vector<1x16xf32> to vector<16xf32>
        %mul3A_629 = arith.mulf %get3A_628, %get3A_240 : vector<16xf32>
        %add3A_630 = arith.addi %mul3A_138, %scan3A_276 : i32
        %swap3A_631 = arith.index_cast %add3A_630 : i32 to index
        %swap3A_632 = arith.constant 464 : index
        %swap3A_633 = tpu.vector_load %arg13[%swap3A_631, %swap3A_632] {strides = array<i32>} : memref<96x512xf32, #tpu.memory_space<vmem>>, vector<1x16xf32>,
        %swap3A_634 = vector.shape_cast %swap3A_633 : vector<1x16xf32> to vector<16xf32>
        %swap3A_635 = vector.shape_cast %mul3A_629 : vector<16xf32> to vector<1x16xf32>
        tpu.vector_store %arg13[%swap3A_631, %swap3A_632], %swap3A_635 {strides = array<i32>} : memref<96x512xf32, #tpu.memory_space<vmem>>, vector<1x16xf32>,
        %add3A_636 = arith.addi %mul3A_138, %scan3A_276 : i32
        %get3A_637 = arith.index_cast %add3A_636 : i32 to index
        %get3A_638 = arith.constant 480 : index
        %get3A_639 = tpu.vector_load %arg13[%get3A_637, %get3A_638] {strides = array<i32>} : memref<96x512xf32, #tpu.memory_space<vmem>>, vector<1x16xf32>,
        %get3A_640 = vector.shape_cast %get3A_639 : vector<1x16xf32> to vector<16xf32>
        %mul3A_641 = arith.mulf %get3A_640, %get3A_243 : vector<16xf32>
        %add3A_642 = arith.addi %mul3A_138, %scan3A_276 : i32
        %swap3A_643 = arith.index_cast %add3A_642 : i32 to index
        %swap3A_644 = arith.constant 480 : index
        %swap3A_645 = tpu.vector_load %arg13[%swap3A_643, %swap3A_644] {strides = array<i32>} : memref<96x512xf32, #tpu.memory_space<vmem>>, vector<1x16xf32>,
        %swap3A_646 = vector.shape_cast %swap3A_645 : vector<1x16xf32> to vector<16xf32>
        %swap3A_647 = vector.shape_cast %mul3A_641 : vector<16xf32> to vector<1x16xf32>
        tpu.vector_store %arg13[%swap3A_643, %swap3A_644], %swap3A_647 {strides = array<i32>} : memref<96x512xf32, #tpu.memory_space<vmem>>, vector<1x16xf32>,
        %add3A_648 = arith.addi %mul3A_138, %scan3A_276 : i32
        %get3A_649 = arith.index_cast %add3A_648 : i32 to index
        %get3A_650 = arith.constant 496 : index
        %get3A_651 = tpu.vector_load %arg13[%get3A_649, %get3A_650] {strides = array<i32>} : memref<96x512xf32, #tpu.memory_space<vmem>>, vector<1x16xf32>,
        %get3A_652 = vector.shape_cast %get3A_651 : vector<1x16xf32> to vector<16xf32>
        %mul3A_653 = arith.mulf %get3A_652, %get3A_246 : vector<16xf32>
        %add3A_654 = arith.addi %mul3A_138, %scan3A_276 : i32
        %swap3A_655 = arith.index_cast %add3A_654 : i32 to index
        %swap3A_656 = arith.constant 496 : index
        %swap3A_657 = tpu.vector_load %arg13[%swap3A_655, %swap3A_656] {strides = array<i32>} : memref<96x512xf32, #tpu.memory_space<vmem>>, vector<1x16xf32>,
        %swap3A_658 = vector.shape_cast %swap3A_657 : vector<1x16xf32> to vector<16xf32>
        %swap3A_659 = vector.shape_cast %mul3A_653 : vector<16xf32> to vector<1x16xf32>
        tpu.vector_store %arg13[%swap3A_655, %swap3A_656], %swap3A_659 {strides = array<i32>} : memref<96x512xf32, #tpu.memory_space<vmem>>, vector<1x16xf32>,
      }
      %scan3A_252 = arith.constant 16 : i32
      %mul3A_253 = arith.constant 16 : i32
      %mul3A_254 = arith.muli %scan3A_135, %mul3A_253 : i32
      %add3A_255 = arith.addi %mul3A_2, %mul3A_254 : i32
      %dma_start3A_256 = arith.constant 0 : i32
      %dma_start3A_257 = tpu.memref_slice %arg13[%mul3A_138, %dma_start3A_256] : memref<96x512xf32, #tpu.memory_space<vmem>> -> memref<16x512xf32, #tpu.memory_space<vmem>>
      %dma_start3A_258 = arith.constant 0 : i32
      %dma_start3A_259 = tpu.memref_slice %arg7[%add3A_255, %dma_start3A_258] : memref<16384x512xf32, #tpu.memory_space<hbm>> -> memref<16x512xf32, #tpu.memory_space<hbm>>
      %dma_start3A_260 = arith.constant 0 : i32
      %dma_start3A_261 = tpu.memref_slice %arg7[%add3A_255, %dma_start3A_260] : memref<16384x512xf32, #tpu.memory_space<hbm>> -> memref<16x512xf32, #tpu.memory_space<hbm>>
      %dma_start3A_262 = arith.constant 0 : i32
      %dma_start3A_263 = tpu.memref_slice %arg13[%mul3A_138, %dma_start3A_262] : memref<96x512xf32, #tpu.memory_space<vmem>> -> memref<16x512xf32, #tpu.memory_space<vmem>>
      tpu.enqueue_dma source(%dma_start3A_263 : memref<16x512xf32, #tpu.memory_space<vmem>>) target(%dma_start3A_261 : memref<16x512xf32, #tpu.memory_space<hbm>>) target_semaphore(%arg15 : memref<!tpu.dma_semaphore, #tpu.memory_space<semaphore_mem>>)
      %ge3A = arith.constant 1 : i32
      %ge3A_264 = arith.cmpi sge, %scan3A_135, %ge3A : i32
      %add3A_265 = arith.constant 5 : i32
      %add3A_266 = arith.addi %scan3A_135, %add3A_265 : i32
      %lt3A = arith.constant 32 : i32
      %lt3A_267 = arith.cmpi slt, %add3A_266, %lt3A : i32
      %and3A = arith.andi %ge3A_264, %lt3A_267 : i1
      %convert_element_type3A = arith.extui %and3A : i1 to i32
      %cond3A = arith.constant 0 : i32
      %cond3A_268 = arith.cmpi ne, %convert_element_type3A, %cond3A : i32
      scf.if %cond3A_268 {
        %dma_wait3A_276 = arith.constant 0 : i32
        %dma_wait3A_277 = arith.constant 0 : i32
        %dma_wait3A_278 = tpu.memref_slice %arg13[%dma_wait3A_276, %dma_wait3A_277] : memref<96x512xf32, #tpu.memory_space<vmem>> -> memref<16x512xf32, #tpu.memory_space<vmem>>
        %dma_wait3A_279 = arith.constant 0 : i32
        %dma_wait3A_280 = arith.constant 0 : i32
        %dma_wait3A_281 = tpu.memref_slice %arg7[%dma_wait3A_279, %dma_wait3A_280] : memref<16384x512xf32, #tpu.memory_space<hbm>> -> memref<16x512xf32, #tpu.memory_space<hbm>>
        %dma_wait3A_282 = arith.constant 0 : i32
        %dma_wait3A_283 = arith.constant 0 : i32
        %dma_wait3A_284 = tpu.memref_slice %arg13[%dma_wait3A_282, %dma_wait3A_283] : memref<96x512xf32, #tpu.memory_space<vmem>> -> memref<16x512xf32, #tpu.memory_space<vmem>>
        %dma_wait3A_285 = arith.constant 0 : i32
        %dma_wait3A_286 = arith.constant 0 : i32
        %dma_wait3A_287 = tpu.memref_slice %arg7[%dma_wait3A_285, %dma_wait3A_286] : memref<16384x512xf32, #tpu.memory_space<hbm>> -> memref<16x512xf32, #tpu.memory_space<hbm>>
        tpu.wait_dma2 semaphore(%arg15 : memref<!tpu.dma_semaphore, #tpu.memory_space<semaphore_mem>>) src(%dma_wait3A_287 : memref<16x512xf32, #tpu.memory_space<hbm>>) dst(%dma_wait3A_284 : memref<16x512xf32, #tpu.memory_space<vmem>>)
      } else {
      }
      %add3A_269 = arith.constant 5 : i32
      %add3A_270 = arith.addi %scan3A_135, %add3A_269 : i32
      %lt3A_271 = arith.constant 32 : i32
      %lt3A_272 = arith.cmpi slt, %add3A_270, %lt3A_271 : i32
      %convert_element_type3A_273 = arith.extui %lt3A_272 : i1 to i32
      %cond3A_274 = arith.constant 0 : i32
      %cond3A_275 = arith.cmpi ne, %convert_element_type3A_273, %cond3A_274 : i32
      scf.if %cond3A_275 {
        %add3A_276 = arith.constant 5 : i32
        %add3A_277 = arith.addi %scan3A_135, %add3A_276 : i32
        %add3A_278 = arith.constant 5 : i32
        %add3A_279 = arith.addi %scan3A_135, %add3A_278 : i32
        %rem3A_280 = arith.constant 6 : i32
        %rem3A_281 = arith.remsi %add3A_279, %rem3A_280 : i32
        %mul3A_282 = arith.constant 16 : i32
        %mul3A_283 = arith.muli %rem3A_281, %mul3A_282 : i32
        %mul3A_284 = arith.constant 16 : i32
        %mul3A_285 = arith.muli %add3A_277, %mul3A_284 : i32
        %dma_start3A_286 = arith.constant 0 : i32
        %dma_start3A_287 = tpu.memref_slice %arg13[%mul3A_283, %dma_start3A_286] : memref<96x512xf32, #tpu.memory_space<vmem>> -> memref<16x512xf32, #tpu.memory_space<vmem>>
        %dma_start3A_288 = tpu.memref_slice %arg8[%mul3A_285] : memref<512xi32, #tpu.memory_space<vmem>> -> memref<16xi32, #tpu.memory_space<vmem>>
        %dma_start3A_289 = arith.constant 0 : i32
        %dma_start3A_290 = arith.constant 0 : i32
        %dma_start3A_291 = tpu.memref_slice %arg3[%dma_start3A_289, %dma_start3A_290] : memref<50000x512xf32, #tpu.memory_space<hbm>> -> memref<50000x512xf32, #tpu.memory_space<hbm>>
        tpu.enqueue_indirect_dma source(%dma_start3A_291 : memref<50000x512xf32, #tpu.memory_space<hbm>>) target(%dma_start3A_287 : memref<16x512xf32, #tpu.memory_space<vmem>>) offsets(%dma_start3A_288 : memref<16xi32, #tpu.memory_space<vmem>>) semaphore(%arg14 : memref<!tpu.dma_semaphore, #tpu.memory_space<semaphore_mem>>)
      } else {
      }
    }
    %scan3A_63 = arith.constant 32 : i32
    %dma_wait3A = arith.constant 0 : i32
    %dma_wait3A_64 = arith.constant 0 : i32
    %dma_wait3A_65 = tpu.memref_slice %arg13[%dma_wait3A, %dma_wait3A_64] : memref<96x512xf32, #tpu.memory_space<vmem>> -> memref<16x512xf32, #tpu.memory_space<vmem>>
    %dma_wait3A_66 = arith.constant 0 : i32
    %dma_wait3A_67 = arith.constant 0 : i32
    %dma_wait3A_68 = tpu.memref_slice %arg7[%dma_wait3A_66, %dma_wait3A_67] : memref<16384x512xf32, #tpu.memory_space<hbm>> -> memref<16x512xf32, #tpu.memory_space<hbm>>
    %dma_wait3A_69 = arith.constant 0 : i32
    %dma_wait3A_70 = arith.constant 0 : i32
    %dma_wait3A_71 = tpu.memref_slice %arg13[%dma_wait3A_69, %dma_wait3A_70] : memref<96x512xf32, #tpu.memory_space<vmem>> -> memref<16x512xf32, #tpu.memory_space<vmem>>
    %dma_wait3A_72 = arith.constant 0 : i32
    %dma_wait3A_73 = arith.constant 0 : i32
    %dma_wait3A_74 = tpu.memref_slice %arg7[%dma_wait3A_72, %dma_wait3A_73] : memref<16384x512xf32, #tpu.memory_space<hbm>> -> memref<16x512xf32, #tpu.memory_space<hbm>>
    tpu.wait_dma2 semaphore(%arg15 : memref<!tpu.dma_semaphore, #tpu.memory_space<semaphore_mem>>) src(%dma_wait3A_74 : memref<16x512xf32, #tpu.memory_space<hbm>>) dst(%dma_wait3A_71 : memref<16x512xf32, #tpu.memory_space<vmem>>)
    %dma_wait3A_75 = arith.constant 0 : i32
    %dma_wait3A_76 = arith.constant 0 : i32
    %dma_wait3A_77 = tpu.memref_slice %arg13[%dma_wait3A_75, %dma_wait3A_76] : memref<96x512xf32, #tpu.memory_space<vmem>> -> memref<16x512xf32, #tpu.memory_space<vmem>>
    %dma_wait3A_78 = arith.constant 0 : i32
    %dma_wait3A_79 = arith.constant 0 : i32
    %dma_wait3A_80 = tpu.memref_slice %arg7[%dma_wait3A_78, %dma_wait3A_79] : memref<16384x512xf32, #tpu.memory_space<hbm>> -> memref<16x512xf32, #tpu.memory_space<hbm>>
    %dma_wait3A_81 = arith.constant 0 : i32
    %dma_wait3A_82 = arith.constant 0 : i32
    %dma_wait3A_83 = tpu.memref_slice %arg13[%dma_wait3A_81, %dma_wait3A_82] : memref<96x512xf32, #tpu.memory_space<vmem>> -> memref<16x512xf32, #tpu.memory_space<vmem>>
    %dma_wait3A_84 = arith.constant 0 : i32
    %dma_wait3A_85 = arith.constant 0 : i32
    %dma_wait3A_86 = tpu.memref_slice %arg7[%dma_wait3A_84, %dma_wait3A_85] : memref<16384x512xf32, #tpu.memory_space<hbm>> -> memref<16x512xf32, #tpu.memory_space<hbm>>
    tpu.wait_dma2 semaphore(%arg15 : memref<!tpu.dma_semaphore, #tpu.memory_space<semaphore_mem>>) src(%dma_wait3A_86 : memref<16x512xf32, #tpu.memory_space<hbm>>) dst(%dma_wait3A_83 : memref<16x512xf32, #tpu.memory_space<vmem>>)
    %dma_wait3A_87 = arith.constant 0 : i32
    %dma_wait3A_88 = arith.constant 0 : i32
    %dma_wait3A_89 = tpu.memref_slice %arg13[%dma_wait3A_87, %dma_wait3A_88] : memref<96x512xf32, #tpu.memory_space<vmem>> -> memref<16x512xf32, #tpu.memory_space<vmem>>
    %dma_wait3A_90 = arith.constant 0 : i32
    %dma_wait3A_91 = arith.constant 0 : i32
    %dma_wait3A_92 = tpu.memref_slice %arg7[%dma_wait3A_90, %dma_wait3A_91] : memref<16384x512xf32, #tpu.memory_space<hbm>> -> memref<16x512xf32, #tpu.memory_space<hbm>>
    %dma_wait3A_93 = arith.constant 0 : i32
    %dma_wait3A_94 = arith.constant 0 : i32
    %dma_wait3A_95 = tpu.memref_slice %arg13[%dma_wait3A_93, %dma_wait3A_94] : memref<96x512xf32, #tpu.memory_space<vmem>> -> memref<16x512xf32, #tpu.memory_space<vmem>>
    %dma_wait3A_96 = arith.constant 0 : i32
    %dma_wait3A_97 = arith.constant 0 : i32
    %dma_wait3A_98 = tpu.memref_slice %arg7[%dma_wait3A_96, %dma_wait3A_97] : memref<16384x512xf32, #tpu.memory_space<hbm>> -> memref<16x512xf32, #tpu.memory_space<hbm>>
    tpu.wait_dma2 semaphore(%arg15 : memref<!tpu.dma_semaphore, #tpu.memory_space<semaphore_mem>>) src(%dma_wait3A_98 : memref<16x512xf32, #tpu.memory_space<hbm>>) dst(%dma_wait3A_95 : memref<16x512xf32, #tpu.memory_space<vmem>>)
    %dma_wait3A_99 = arith.constant 0 : i32
    %dma_wait3A_100 = arith.constant 0 : i32
    %dma_wait3A_101 = tpu.memref_slice %arg13[%dma_wait3A_99, %dma_wait3A_100] : memref<96x512xf32, #tpu.memory_space<vmem>> -> memref<16x512xf32, #tpu.memory_space<vmem>>
    %dma_wait3A_102 = arith.constant 0 : i32
    %dma_wait3A_103 = arith.constant 0 : i32
    %dma_wait3A_104 = tpu.memref_slice %arg7[%dma_wait3A_102, %dma_wait3A_103] : memref<16384x512xf32, #tpu.memory_space<hbm>> -> memref<16x512xf32, #tpu.memory_space<hbm>>
    %dma_wait3A_105 = arith.constant 0 : i32
    %dma_wait3A_106 = arith.constant 0 : i32
    %dma_wait3A_107 = tpu.memref_slice %arg13[%dma_wait3A_105, %dma_wait3A_106] : memref<96x512xf32, #tpu.memory_space<vmem>> -> memref<16x512xf32, #tpu.memory_space<vmem>>
    %dma_wait3A_108 = arith.constant 0 : i32
    %dma_wait3A_109 = arith.constant 0 : i32
    %dma_wait3A_110 = tpu.memref_slice %arg7[%dma_wait3A_108, %dma_wait3A_109] : memref<16384x512xf32, #tpu.memory_space<hbm>> -> memref<16x512xf32, #tpu.memory_space<hbm>>
    tpu.wait_dma2 semaphore(%arg15 : memref<!tpu.dma_semaphore, #tpu.memory_space<semaphore_mem>>) src(%dma_wait3A_110 : memref<16x512xf32, #tpu.memory_space<hbm>>) dst(%dma_wait3A_107 : memref<16x512xf32, #tpu.memory_space<vmem>>)
    %dma_wait3A_111 = arith.constant 0 : i32
    %dma_wait3A_112 = arith.constant 0 : i32
    %dma_wait3A_113 = tpu.memref_slice %arg13[%dma_wait3A_111, %dma_wait3A_112] : memref<96x512xf32, #tpu.memory_space<vmem>> -> memref<16x512xf32, #tpu.memory_space<vmem>>
    %dma_wait3A_114 = arith.constant 0 : i32
    %dma_wait3A_115 = arith.constant 0 : i32
    %dma_wait3A_116 = tpu.memref_slice %arg7[%dma_wait3A_114, %dma_wait3A_115] : memref<16384x512xf32, #tpu.memory_space<hbm>> -> memref<16x512xf32, #tpu.memory_space<hbm>>
    %dma_wait3A_117 = arith.constant 0 : i32
    %dma_wait3A_118 = arith.constant 0 : i32
    %dma_wait3A_119 = tpu.memref_slice %arg13[%dma_wait3A_117, %dma_wait3A_118] : memref<96x512xf32, #tpu.memory_space<vmem>> -> memref<16x512xf32, #tpu.memory_space<vmem>>
    %dma_wait3A_120 = arith.constant 0 : i32
    %dma_wait3A_121 = arith.constant 0 : i32
    %dma_wait3A_122 = tpu.memref_slice %arg7[%dma_wait3A_120, %dma_wait3A_121] : memref<16384x512xf32, #tpu.memory_space<hbm>> -> memref<16x512xf32, #tpu.memory_space<hbm>>
    tpu.wait_dma2 semaphore(%arg15 : memref<!tpu.dma_semaphore, #tpu.memory_space<semaphore_mem>>) src(%dma_wait3A_122 : memref<16x512xf32, #tpu.memory_space<hbm>>) dst(%dma_wait3A_119 : memref<16x512xf32, #tpu.memory_space<vmem>>)
    %dma_wait3A_123 = arith.constant 0 : i32
    %dma_wait3A_124 = arith.constant 0 : i32
    %dma_wait3A_125 = tpu.memref_slice %arg13[%dma_wait3A_123, %dma_wait3A_124] : memref<96x512xf32, #tpu.memory_space<vmem>> -> memref<16x512xf32, #tpu.memory_space<vmem>>
    %dma_wait3A_126 = arith.constant 0 : i32
    %dma_wait3A_127 = arith.constant 0 : i32
    %dma_wait3A_128 = tpu.memref_slice %arg7[%dma_wait3A_126, %dma_wait3A_127] : memref<16384x512xf32, #tpu.memory_space<hbm>> -> memref<16x512xf32, #tpu.memory_space<hbm>>
    %dma_wait3A_129 = arith.constant 0 : i32
    %dma_wait3A_130 = arith.constant 0 : i32
    %dma_wait3A_131 = tpu.memref_slice %arg13[%dma_wait3A_129, %dma_wait3A_130] : memref<96x512xf32, #tpu.memory_space<vmem>> -> memref<16x512xf32, #tpu.memory_space<vmem>>
    %dma_wait3A_132 = arith.constant 0 : i32
    %dma_wait3A_133 = arith.constant 0 : i32
    %dma_wait3A_134 = tpu.memref_slice %arg7[%dma_wait3A_132, %dma_wait3A_133] : memref<16384x512xf32, #tpu.memory_space<hbm>> -> memref<16x512xf32, #tpu.memory_space<hbm>>
    tpu.wait_dma2 semaphore(%arg15 : memref<!tpu.dma_semaphore, #tpu.memory_space<semaphore_mem>>) src(%dma_wait3A_134 : memref<16x512xf32, #tpu.memory_space<hbm>>) dst(%dma_wait3A_131 : memref<16x512xf32, #tpu.memory_space<vmem>>)
    return
  }
}

</mosaic_0001>

<sc_bundles>
// kernel: kernel.3.cloned.1.call-start
scs
__scs_entry_jumppad:
0x0: {  	(pc) =	sbr.rel $0x88, $3  }
0x1: {  	(tag) =	ssettag $0x0;
	lr =	simm.s32 $0x1  }
0x2: {  	[smem:$0x3F9C] =	sst lr;
	_ =	strace $0xD0000000  }
0x3: {  	_ = 	snop  }
0x4: {  	_ = 	snop  }
0x5: {  	_ = 	snop  }
0x6: {  	_ = 	snop  }
0x7: {  	_ = 	snop  }
__scs_overlays_trampoline_lowered:
0x8: {  	[smem:$0x3FAB] =	sst s0  }
0x9: {  	[smem:$0x3FAC] =	sst s1  }
0xa: {  	[smem:$0x3FAD] =	sst s2  }
0xb: {  	[smem:$0x3FAE] =	sst s3  }
0xc: {  	[smem:$0x3FAF] =	sst s4  }
0xd: {  	[smem:$0x3FB0] =	sst s5  }
0xe: {  	[smem:$0x3FB1] =	sst s6  }
0xf: {  	[smem:$0x3FB2] =	sst s7  }
0x10: {  	[smem:$0x3FB3] =	sst s8  }
0x11: {  	[smem:$0x3FB4] =	sst s9;
	s0 =	simm.s32 @!p0 $0x0  }
0x12: {  	s1 =	sld [smem:$0x3F9A];
	s0 =	simm.s32 @p0 $0x1  }
0x13: {  	[smem:$0x3FB5] =	sst s0;
	s0 =	simm.s32 @!p1 $0x0  }
0x14: {  	s2 =	sld [smem:$0x3F99];
	s0 =	simm.s32 @p1 $0x1  }
0x15: {  	[smem:$0x3FB6] =	sst s0;
	s0 =	simm.s32 @!p2 $0x0  }
0x16: {  	s3 =	sld [smem:$0x3FDB];
	s0 =	simm.s32 @p2 $0x1  }
0x17: {  	s4 =	simm.s32 $0x1BF5;
	[smem:$0x3FB8] =	sst s0  }
0x18: {  	s0 =	sld [smem:$0x3F9B];
	_ =	swait.ge [sflag:s4], $0x0  }
0x19: {  	s7 =	sld [smem:$0x3F9C]  }
0x1a: {  	s8 =	sadd.s32 $0xFFFFE003, lr  }
0x1b: {  	s9 =	sadd.s32 $0xFFFFFEF7, lr;
	s5 =	simm.s32 $0xFFFFFFFF;
	p2 =	slt.u32 s8, $0xFFFFF086  }
0x1c: {  	p1 =	slt.u32 s9, $0xF7A;
	s5 =	simm.s32 @!p2 $0x0  }
0x1d: {  	s5 =	simm.s32 @p1 $0x1;
	p0 =	seq.s32 s7, s2  }
0x1e: {  	s7 =	smul.u32 @!p0 $0xF7A, s2;
	p2 =	seq.s32 @!p0 s5, $0x0  }
0x1f: {  	s9 =	smul.u32 $0xF7A, s1;
	s8 =	simm.s32 @!p0 $0x1BF5;
	p2 =	por !p2, p0  }
0x20: {  	[sflag:s8] =	ssyncset.s32 @!p0 $0xFFFFF086;
	s6 =	sadd.s32 @!p0 s3, s7;
	s7 =	simm.s32 @!p0 $0x108  }
0x21: {  	s3 =	sadd.s32 s3, s9;
	s6 =	sadd.s32 @!p0 $0x88, s6;
	s7 =	simm.s32 @p2 $0x1082  }
0x22: {  	[simem:s7], [sflag:s8] =	dma.local @!p0 [hbm:s6], $0xF7A  }
0x23: {  	s9 =	sor.u32 $0xD0000000, s2;
	s6 =	simm.s32 $0x108;
	_ =	swait.ge @!p0 [sflag:s8], $0x0  }
0x24: {  	s3 =	sadd.s32 $0x88, s3;
	s6 =	simm.s32 @!p1 $0x1082;
	[sflag:s4] =	ssyncset.s32 $0xFFFFF086  }
0x25: {  	[simem:s6], [sflag:s4] =	dma.local [hbm:s3], $0xF7A  }
0x26: {  	[smem:$0x3F9C] =	sst s1;
	(tag) =	ssettag s2;
	_ =	strace s9  }
0x27: {  	s1 =	sld [smem:$0x3FAC]  }
0x28: {  	s2 =	sld [smem:$0x3FAD]  }
0x29: {  	s4 =	sld [smem:$0x3FAF]  }
0x2a: {  	p0 =	seq.s32 s5, $0x0;
	s5 =	sld [smem:$0x3FB0]  }
0x2b: {  	s6 =	sld [smem:$0x3FB1]  }
0x2c: {  	s7 =	sld [smem:$0x3FB2]  }
0x2d: {  	s3 =	simm.s32 $0x108;
	s8 =	sld [smem:$0x3FB3]  }
0x2e: {  	s3 =	simm.s32 @!p0 $0x1082;
	s9 =	sld [smem:$0x3FB4]  }
0x2f: {  	lr =	sadd.s32 s0, s3;
	s0 =	sld [smem:$0x3FAB]  }
0x30: {  	s3 =	sld [smem:$0x3FAE]  }
0x31: {  	[smem:$0x3FB7] =	sst s10  }
0x32: {  	s10 =	sld [smem:$0x3FB5];
	_ =	sdelay $0x3  }
0x33: {  	p0 =	seq.s32 s10, $0x1;
	s10 =	sld [smem:$0x3FB7];
	_ =	sdelay $0x3  }
0x34: {  	[smem:$0x3FB7] =	sst s10  }
0x35: {  	s10 =	sld [smem:$0x3FB6];
	_ =	sdelay $0x3  }
0x36: {  	p1 =	seq.s32 s10, $0x1;
	s10 =	sld [smem:$0x3FB7];
	_ =	sdelay $0x3  }
0x37: {  	[smem:$0x3FB7] =	sst s10  }
0x38: {  	s10 =	sld [smem:$0x3FB8]  }
0x39: {  	_ = 	snop;
	(pc) =	sbr.ind lr, $3  }
0x3a: {  	_ = 	snop  }
0x3b: {  	_ = 	snop  }
0x3c: {  	p2 =	seq.s32 s10, $0x1;
	s10 =	sld [smem:$0x3FB7]  }
0x3d: {  	_ =	shalt  }
0x3e: {  	_ =	shalt  }
0x3f: {  	_ =	shalt  }
0x40: {  	_ =	shalt  }
0x41: {  	_ =	shalt  }
0x42: {  	_ =	shalt  }
0x43: {  	_ =	shalt  }
0x44: {  	_ =	shalt  }
0x45: {  	_ =	shalt  }
0x46: {  	_ =	shalt  }
0x47: {  	_ =	shalt  }
0x48: {  	_ =	shalt  }
0x49: {  	_ =	shalt  }
0x4a: {  	_ =	shalt  }
0x4b: {  	_ =	shalt  }
0x4c: {  	_ =	shalt  }
0x4d: {  	_ =	shalt  }
0x4e: {  	_ =	shalt  }
0x4f: {  	_ =	shalt  }
0x50: {  	_ =	shalt  }
0x51: {  	_ =	shalt  }
0x52: {  	_ =	shalt  }
0x53: {  	_ =	shalt  }
0x54: {  	_ =	shalt  }
0x55: {  	_ =	shalt  }
0x56: {  	_ =	shalt  }
0x57: {  	_ =	shalt  }
0x58: {  	_ =	shalt  }
0x59: {  	_ =	shalt  }
0x5a: {  	_ =	shalt  }
0x5b: {  	_ =	shalt  }
0x5c: {  	_ =	shalt  }
0x5d: {  	_ =	shalt  }
0x5e: {  	_ =	shalt  }
0x5f: {  	_ =	shalt  }
0x60: {  	_ =	shalt  }
0x61: {  	_ =	shalt  }
0x62: {  	_ =	shalt  }
0x63: {  	_ =	shalt  }
0x64: {  	_ =	shalt  }
0x65: {  	_ =	shalt  }
0x66: {  	_ =	shalt  }
0x67: {  	_ =	shalt  }
0x68: {  	_ =	shalt  }
0x69: {  	_ =	shalt  }
0x6a: {  	_ =	shalt  }
0x6b: {  	_ =	shalt  }
0x6c: {  	_ =	shalt  }
0x6d: {  	_ =	shalt  }
0x6e: {  	_ =	shalt  }
0x6f: {  	_ =	shalt  }
0x70: {  	_ =	shalt  }
0x71: {  	_ =	shalt  }
0x72: {  	_ =	shalt  }
0x73: {  	_ =	shalt  }
0x74: {  	_ =	shalt  }
0x75: {  	_ =	shalt  }
0x76: {  	_ =	shalt  }
0x77: {  	_ =	shalt  }
0x78: {  	_ =	shalt  }
0x79: {  	_ =	shalt  }
0x7a: {  	_ =	shalt  }
0x7b: {  	_ =	shalt  }
0x7c: {  	_ =	shalt  }
0x7d: {  	_ =	shalt  }
0x7e: {  	_ =	shalt  }
0x7f: {  	_ =	shalt  }
0x80: {  	_ =	shalt  }
0x81: {  	_ =	shalt  }
0x82: {  	_ =	shalt  }
0x83: {  	_ =	shalt  }
0x84: {  	_ =	shalt  }
0x85: {  	_ =	shalt  }
0x86: {  	_ =	shalt  }
0x87: {  	_ =	shalt  }
.Lfunc_end0:
.L_simem_size_0:
called_computation_lowered:
.L_overlay_start_0:
0x88: {  	s2 =	sld [smem:$0x3FD9]  }
0x89: {  	s3 =	sld [smem:$0x3FFE];
	_ =	sdelay $0x1  }
0x8a: {  	s1 =	srdreg.scid  }
0x8b: {  	s0 =	sand.u32 $0x1, s1  }
0x8c: {  	s18 =	sshll.u32 s0, $0xA;
	s2 =	sadd.s32 s3, s2  }
0x8d: {  	s2 =	sadd.s32 s2, s18  }
0x8e: {  	[smem:$0x3FC3] =	sst s2  }
0x8f: {  	_ = 	snop  }
0x90: {  	s2 =	sld [smem:$0x3FC9]  }
0x91: {  	s19 =	sld [smem:$0x3FC8]  }
0x92: {  	s4 =	sld [smem:$0x3FC7]  }
0x93: {  	s5 =	sld [smem:$0x3FC6]  }
0x94: {  	s6 =	sld [smem:$0x3FC5]  }
0x95: {  	s7 =	sld [smem:$0x3FD0];
	(tm) =	ssettm $0x1  }
0x96: {  	s8 =	sld [smem:$0x3FFB];
	_ =	sdelay $0x3  }
0x97: {  	_ =	strace s8  }
0x98: {  	s8 =	sld [smem:$0x3FFC];
	_ =	sdelay $0x3  }
0x99: {  	_ =	strace s8  }
0x9a: {  	s8 =	sld [smem:$0x3FFD];
	_ =	sdelay $0x3  }
0x9b: {  	_ =	strace s8  }
0x9c: {  	_ =	strace $0x8FFFFFFF  }
0x9d: {  	s20 =	sld [smem:$0x3FDB];
	_ =	sdelay $0x1  }
0x9e: {  	s9 =	simm.s32 $_scs_section_size  }
0x9f: {  	s10 =	simm.s32 $_size__tile_overlayer_lowered;
	s11 =	simm.s32 $_tile_overlayer_lowered  }
0xa0: {  	s23 =	simm.s32 $0x1BFF;
	s22 =	sshll.u32 s11, $0x1;
	s8 =	sadd.s32 s9, s20  }
0xa1: {  	s12 =	simm.s32 $0x0;
	s21 =	sshll.u32 s10, $0x1;
	s10 =	sadd.s32 s22, s8  }
0xa2: {  	[timem:s12], [sflag:s23] =	dma.local [hbm:s10], s21  }
0xa3: {  	_ =	swait.ge [sflag:s23], s21  }
0xa4: {  	s9 =	ssub.s32 $0x0, s21;
	[sflag:s23] =	ssyncset.done $0x0  }
0xa5: {  	[sflag:s23] =	ssyncadd.s32 s9;
	_ =	sdelay $0x1  }
0xa6: {  	s24 =	simm.s32 $0x1B8B  }
0xa7: {  	_ =	swait.ge [sflag:s24], $0x1  }
0xa8: {  	[sflag:s24] =	ssyncset.done $0x0  }
0xa9: {  	s25 =	simm.s32 $0x1B8E;
	[sflag:s24] =	ssyncadd.s32 $0xFFFFFFFF  }
0xaa: {  	s26 =	simm.s32 $execute0_lowered;
	[smem:$0x3FD2] =	sst s25  }
0xab: {  	s9 =	sshll.u32 s26, $0x1;
	_ =	strace $0x80000046;
	[dreg:$0x1] =	wrdreg $0xFFFFFFFF  }
0xac: {  	s28 =	simm.s32 $_size_execute0_lowered;
	s8 =	sadd.s32 s8, s9;
	[dreg:$0x0] =	wrdreg $0x0  }
0xad: {  	s9 =	sshll.u32 s28, $0x1;
	[dreg:$0x2] =	wrdreg s8  }
0xae: {  	[dreg:$0x3] =	wrdreg s9  }
0xaf: {  	[dreg:$0x4] =	wrdreg $0xC0  }
0xb0: {  	_ =	task [dreg:s12], $0x5FFFF  }
0xb1: {  	[dreg:$0x1] =	wrdreg $0xFFFFFFFF  }
0xb2: {  	[dreg:$0x0] =	wrdreg $0x60  }
0xb3: {  	[dreg:$0x2] =	wrdreg s2  }
0xb4: {  	[dreg:$0x3] =	wrdreg s19  }
0xb5: {  	[dreg:$0x4] =	wrdreg s4  }
0xb6: {  	[dreg:$0x5] =	wrdreg s5  }
0xb7: {  	[dreg:$0x6] =	wrdreg s6  }
0xb8: {  	[dreg:$0x7] =	wrdreg s7  }
0xb9: {  	[dreg:$0x8] =	wrdreg $0x9  }
0xba: {  	_ =	task.clear_ibuf [dreg:s12], $0x9FFFF;
	_ =	strace $0x90000046  }
0xbb: {  	s29 =	simm.s32 $0x9;
	_ =	strace $0x80000048  }
0xbc: {  	_ =	swait.ge [sflag:s29], $0x1  }
0xbd: {  	[sflag:s29] =	ssyncadd.s32 $0xFFFFFFFF  }
0xbe: {  	_ =	strace $0x90000048  }
0xbf: {  	_ =	sfence  }
0xc0: {  	s30 =	sld [smem:$0x0];
	_ =	sdelay $0x2  }
0xc1: {  	s31 =	sshll.u32 s1, $0xD;
	s1 =	sshrl.u32 s1, $0x2  }
0xc2: {  	s3 =	sand.u32 $0x4000, s31;
	s1 =	sadd.s32 s1, s30  }
0xc3: {  	s0 =	sor.u32 s3, s0;
	s1 =	sshll.u32 s1, $0x11  }
0xc4: {  	s0 =	sor.u32 s1, s0  }
0xc5: {  	s0 =	sadd.s32 $0x8F2B, s0  }
0xc6: {  	[sflag:s0] =	ssyncadd.remote.s32 $0x1  }
0xc7: {  	_ =	sfence.sel $0xFFFF  }
0xc8: {  	[dreg:$0x0] =	wrdreg $0xFFFFFFFF;
	(pc) =	sbr.abs _section_cstart, $3  }
0xc9: {  	[dreg:$0x1] =	wrdreg $0xFFFFFFFF  }
0xca: {  	_ =	task.clear_ibuf [dreg:s12], $0x2FFFF;
	_ =	strace $0x9FFFFFFF  }
0xcb: {  	(tm) =	ssettm $0x7FFFFFFF  }
tec
execute0_lowered:
.L_overlay_start_1:
0x0: {  	(tag) =	ssettag $0x1  }
0x1: {  	s2 =	rddreg [dreg:$0x1]  }
0x2: {  	s0 =	rddreg [dreg:$0x2]  }
0x3: {  	s1 =	rddreg [dreg:$0x5]  }
0x4: {  	s3 =	srdreg.scid;
	s4 =	stileid.u32;
	s6 =	simm.s32 $0x0  }
0x5: {  	s11 =	simm.s32 $0x3;
	s22 =	simm.s32 $0x5700;
	s23 =	simm.s32 $0x5F00  }
0x6: {  	s24 =	simm.s32 $0x6700;
	s28 =	simm.s32 $0x7F00;
	s29 =	simm.s32 $0x8700  }
0x7: {  	s30 =	simm.s32 $0x8F00;
	s31 =	simm.s32 $0x9700;
	s12 =	simm.s32 $0x2  }
0x8: {  	s13 =	simm.s32 $0x0;
	s3 =	sand.u32 $0x1, s3;
	s4 =	sshll.u32 s4, $0xA  }
0x9: {  	[smem:$0x7FF] =	sst s6;
	s8 =	sadd.s32 $0x100, s2;
	s5 =	sshll.u32 s3, $0x9  }
0xa: {  	s3 =	ssub.s32 $0x2, s3;
	_ =	strace $0x80000047;
	s4 =	sor.u32 s5, s4  }
.Ltmp0:
0xb: {  	s25 =	sshrl.u32 s3, $0x1;
	s5 =	simm.s32 $0x1;
	(pc) =	sbr.rel .LBB2_1-.Ltmp0, $4  }
0xc: {  	s7 =	sshrl.u32 s4, $0x3;
	s3 =	ssub.s32 s3, s25;
	s26 =	sshll.u32 s4, $0x6  }
0xd: {  	v2 =	vlaneseq.u32;
	s25 =	simm.s32 $0x6F00;
	s4 =	simm.s32 $0x400;
	s7 =	sadd.s32 s0, s7  }
0xe: {  	vm0 =	vmmov $0xffff;
	v1 =	vshrl.u32 v2, $0x3;
	s9 =	sadd.s32 s1, s26;
	s10 =	smax.u32 s3, $0x1;
	s26 =	simm.s32 $0x7700  }
0xf: {  	v0 =	vand.u32 $0x7, v2;
	v2 =	vor.u32 $0x8, v2;
	v1 =	vmul.u32 $0x8, v1;
	s1 =	simm.s32 $0x9F00;
	s0 =	simm.s32 $0x600;
	s3 =	simm.s32 $0x680  }
.LBB2_11:
0x10: {  	_ =	swait.ge [sflag:s12], $0x2000  }
0x11: {  	[sflag:s12] =	ssyncset.done $0x0  }
0x12: {  	[sflag:s12] =	ssyncadd.s32 $0xFFFFE000  }
0x13: {  	_ =	swait.ge [sflag:s12], $0x2000  }
0x14: {  	[sflag:s12] =	ssyncset.done $0x0  }
0x15: {  	[sflag:s12] =	ssyncadd.s32 $0xFFFFE000  }
0x16: {  	_ =	swait.ge [sflag:s12], $0x2000  }
0x17: {  	[sflag:s12] =	ssyncset.done $0x0  }
0x18: {  	[sflag:s12] =	ssyncadd.s32 $0xFFFFE000  }
0x19: {  	_ =	swait.ge [sflag:s12], $0x2000  }
0x1a: {  	[sflag:s12] =	ssyncset.done $0x0  }
0x1b: {  	s13 =	sadd.s32 $0x1, s13;
	[sflag:s12] =	ssyncadd.s32 $0xFFFFE000  }
0x1c: {  	p0 =	sne.s32 s13, s10;
	_ =	swait.ge [sflag:s12], $0x2000  }
.Ltmp1:
0x1d: {  	[sflag:s12] =	ssyncset.done $0x0;
	(pc) =	sbr.rel @!p0 .LBB2_12-.Ltmp1, $4  }
0x1e: {  	[sflag:s12] =	ssyncadd.s32 $0xFFFFE000  }
0x1f: {  	_ =	swait.ge [sflag:s12], $0x2000  }
0x20: {  	[sflag:s12] =	ssyncset.done $0x0  }
0x21: {  	[sflag:s12] =	ssyncadd.s32 $0xFFFFE000  }
.LBB2_1:
0x22: {  	[tilespmem:s6], [sflag:$0x3] =	stream.linear.gather [hbm4b:s7+s6], $0x200, $0x38;
	[tilespmem:$0xC700] =	vst v63  }
0x23: {  	_ =	swait.ge [sflag:s11], $0x200  }
0x24: {  	[sflag:s11] =	ssyncset.done $0x0  }
0x25: {  	[sflag:s11] =	ssyncadd.s32 $0xFFFFFE00  }
0x26: {  	v3 =	vld [tilespmem:$0x0];
	_ =	sdelay $0x4  }
0x27: {  	v4 =	vshll.u32 v3, $0x2  }
0x28: {  	v3 =	vand.u32 $0x7, v3;
	v4 =	vand.u32 $0xFFFFFFE0, v4  }
0x29: {  	v3 =	vor.u32 v3, v4  }
0x2a: {  	v4 =	vperm.xlane v3, v0;
	_ =	sdelay $0x1  }
0x2b: {  	v4 =	vadd.s32 v1, v4;
	_ =	sdelay $0x1  }
0x2c: {  	v3 =	vperm.xlane v3, v2;
	_ =	sdelay $0x1  }
0x2d: {  	s14 =	simm.s32 $0x700;
	v3 =	vadd.s32 v1, v3  }
0x2e: {  	[tilespmem:s14], [sflag:$0x1] =	stream.indirect_vreg.gather [hbm4b:s2+s6], $0x80, v4, vm0, $0xb8;
	[tilespmem:$0xC700] =	vst v63  }
0x2f: {  	s17 =	simm.s32 $0xF00  }
0x30: {  	[tilespmem:s17], [sflag:$0x1] =	stream.indirect_vreg.gather [hbm4b:s8+s6], $0x80, v4, vm0, $0xb8;
	[tilespmem:$0xC700] =	vst v63  }
0x31: {  	s18 =	simm.s32 $0x1700  }
0x32: {  	[tilespmem:s18], [sflag:$0x1] =	stream.indirect_vreg.gather [hbm4b:s2+s6], $0x80, v3, vm0, $0xb8;
	[tilespmem:$0xC700] =	vst v63  }
0x33: {  	s19 =	simm.s32 $0x1F00  }
0x34: {  	[tilespmem:s19], [sflag:$0x1] =	stream.indirect_vreg.gather [hbm4b:s8+s6], $0x80, v3, vm0, $0xb8;
	[tilespmem:$0xC700] =	vst v63  }
0x35: {  	v3 =	vld [tilespmem:$0x10];
	_ =	sdelay $0x4  }
0x36: {  	v4 =	vshll.u32 v3, $0x2  }
0x37: {  	v3 =	vand.u32 $0x7, v3;
	v4 =	vand.u32 $0xFFFFFFE0, v4  }
0x38: {  	v3 =	vor.u32 v3, v4  }
0x39: {  	v4 =	vperm.xlane v3, v0;
	_ =	sdelay $0x1  }
0x3a: {  	v4 =	vadd.s32 v1, v4;
	_ =	sdelay $0x1  }
0x3b: {  	v3 =	vperm.xlane v3, v2;
	_ =	sdelay $0x1  }
0x3c: {  	s20 =	simm.s32 $0x2700;
	v3 =	vadd.s32 v1, v3  }
0x3d: {  	[tilespmem:s20], [sflag:$0x1] =	stream.indirect_vreg.gather [hbm4b:s2+s6], $0x80, v4, vm0, $0xb8;
	[tilespmem:$0xC700] =	vst v63  }
0x3e: {  	s21 =	simm.s32 $0x2F00  }
0x3f: {  	[tilespmem:s21], [sflag:$0x1] =	stream.indirect_vreg.gather [hbm4b:s8+s6], $0x80, v4, vm0, $0xb8;
	[tilespmem:$0xC700] =	vst v63  }
0x40: {  	s15 =	simm.s32 $0x3700  }
0x41: {  	[tilespmem:s15], [sflag:$0x1] =	stream.indirect_vreg.gather [hbm4b:s2+s6], $0x80, v3, vm0, $0xb8;
	[tilespmem:$0xC700] =	vst v63  }
0x42: {  	s16 =	simm.s32 $0x3F00  }
0x43: {  	[tilespmem:s16], [sflag:$0x1] =	stream.indirect_vreg.gather [hbm4b:s8+s6], $0x80, v3, vm0, $0xb8;
	[tilespmem:$0xC700] =	vst v63  }
0x44: {  	v3 =	vld [tilespmem:$0x20];
	_ =	sdelay $0x4  }
0x45: {  	v4 =	vshll.u32 v3, $0x2  }
0x46: {  	v3 =	vand.u32 $0x7, v3;
	v4 =	vand.u32 $0xFFFFFFE0, v4  }
0x47: {  	v3 =	vor.u32 v3, v4  }
0x48: {  	v4 =	vperm.xlane v3, v0;
	_ =	sdelay $0x1  }
0x49: {  	v4 =	vadd.s32 v1, v4;
	_ =	sdelay $0x1  }
0x4a: {  	v3 =	vperm.xlane v3, v2;
	_ =	sdelay $0x1  }
0x4b: {  	s17 =	simm.s32 $0x4700;
	v3 =	vadd.s32 v1, v3  }
0x4c: {  	[tilespmem:s17], [sflag:$0x1] =	stream.indirect_vreg.gather [hbm4b:s2+s6], $0x80, v4, vm0, $0xb8;
	[tilespmem:$0xC700] =	vst v63  }
0x4d: {  	s18 =	simm.s32 $0x4F00  }
0x4e: {  	[tilespmem:s18], [sflag:$0x1] =	stream.indirect_vreg.gather [hbm4b:s8+s6], $0x80, v4, vm0, $0xb8;
	[tilespmem:$0xC700] =	vst v63  }
0x4f: {  	_ = 	snop  }
0x50: {  	[tilespmem:s22], [sflag:$0x1] =	stream.indirect_vreg.gather [hbm4b:s2+s6], $0x80, v3, vm0, $0xb8;
	[tilespmem:$0xC700] =	vst v63  }
0x51: {  	_ = 	snop  }
0x52: {  	[tilespmem:s23], [sflag:$0x1] =	stream.indirect_vreg.gather [hbm4b:s8+s6], $0x80, v3, vm0, $0xb8;
	[tilespmem:$0xC700] =	vst v63  }
0x53: {  	v3 =	vld [tilespmem:$0x30];
	_ =	sdelay $0x4  }
0x54: {  	v4 =	vshll.u32 v3, $0x2  }
0x55: {  	v3 =	vand.u32 $0x7, v3;
	v4 =	vand.u32 $0xFFFFFFE0, v4  }
0x56: {  	v3 =	vor.u32 v3, v4  }
0x57: {  	v4 =	vperm.xlane v3, v0;
	_ =	sdelay $0x1  }
0x58: {  	v4 =	vadd.s32 v1, v4;
	_ =	sdelay $0x1  }
0x59: {  	v3 =	vperm.xlane v3, v2;
	_ =	sdelay $0x1  }
0x5a: {  	v3 =	vadd.s32 v1, v3  }
0x5b: {  	[tilespmem:s24], [sflag:$0x1] =	stream.indirect_vreg.gather [hbm4b:s2+s6], $0x80, v4, vm0, $0xb8;
	[tilespmem:$0xC700] =	vst v63  }
0x5c: {  	_ = 	snop  }
0x5d: {  	[tilespmem:s25], [sflag:$0x1] =	stream.indirect_vreg.gather [hbm4b:s8+s6], $0x80, v4, vm0, $0xb8;
	[tilespmem:$0xC700] =	vst v63  }
0x5e: {  	_ = 	snop  }
0x5f: {  	[tilespmem:s26], [sflag:$0x1] =	stream.indirect_vreg.gather [hbm4b:s2+s6], $0x80, v3, vm0, $0xb8;
	[tilespmem:$0xC700] =	vst v63  }
0x60: {  	_ = 	snop  }
0x61: {  	[tilespmem:s28], [sflag:$0x1] =	stream.indirect_vreg.gather [hbm4b:s8+s6], $0x80, v3, vm0, $0xb8;
	[tilespmem:$0xC700] =	vst v63  }
0x62: {  	v3 =	vld [tilespmem:$0x40];
	_ =	sdelay $0x4  }
0x63: {  	v4 =	vshll.u32 v3, $0x2  }
0x64: {  	v3 =	vand.u32 $0x7, v3;
	v4 =	vand.u32 $0xFFFFFFE0, v4  }
0x65: {  	v3 =	vor.u32 v3, v4  }
0x66: {  	v4 =	vperm.xlane v3, v0;
	_ =	sdelay $0x1  }
0x67: {  	v4 =	vadd.s32 v1, v4;
	_ =	sdelay $0x1  }
0x68: {  	v3 =	vperm.xlane v3, v2;
	_ =	sdelay $0x1  }
0x69: {  	v3 =	vadd.s32 v1, v3  }
0x6a: {  	[tilespmem:s29], [sflag:$0x1] =	stream.indirect_vreg.gather [hbm4b:s2+s6], $0x80, v4, vm0, $0xb8;
	[tilespmem:$0xC700] =	vst v63  }
0x6b: {  	_ = 	snop  }
0x6c: {  	[tilespmem:s30], [sflag:$0x1] =	stream.indirect_vreg.gather [hbm4b:s8+s6], $0x80, v4, vm0, $0xb8;
	[tilespmem:$0xC700] =	vst v63  }
0x6d: {  	_ = 	snop  }
0x6e: {  	[tilespmem:s31], [sflag:$0x1] =	stream.indirect_vreg.gather [hbm4b:s2+s6], $0x80, v3, vm0, $0xb8;
	[tilespmem:$0xC700] =	vst v63  }
0x6f: {  	_ = 	snop  }
0x70: {  	[tilespmem:s1], [sflag:$0x1] =	stream.indirect_vreg.gather [hbm4b:s8+s6], $0x80, v3, vm0, $0xb8;
	[tilespmem:$0xC700] =	vst v63  }
0x71: {  	s19 =	rddreg [dreg:$0x0]  }
0x72: {  	[tilespmem:s4], [sflag:$0x3] =	stream.linear.gather [hbm4b:s19+s6], $0x200, $0x38;
	[tilespmem:$0xC700] =	vst v63  }
0x73: {  	_ =	swait.ge [sflag:s11], $0x200  }
0x74: {  	[sflag:s11] =	ssyncset.done $0x0  }
0x75: {  	[sflag:s11] =	ssyncadd.s32 $0xFFFFFE00  }
0x76: {  	s20 =	rddreg [dreg:$0x3]  }
0x77: {  	[tilespmem:s0], [sflag:$0x3] =	stream.linear.gather [hbm4b:s20+s6], $0x1, $0x38;
	[tilespmem:$0xC700] =	vst v63  }
0x78: {  	_ =	swait.ge [sflag:s11], $0x1  }
0x79: {  	[sflag:s11] =	ssyncset.done $0x0  }
0x7a: {  	[sflag:s11] =	ssyncadd.s32 $0xFFFFFFFF  }
0x7b: {  	s21 =	rddreg [dreg:$0x4]  }
0x7c: {  	[tilespmem:s3], [sflag:$0x3] =	stream.linear.gather [hbm4b:s21+s6], $0x1, $0x38;
	[tilespmem:$0xC700] =	vst v63  }
0x7d: {  	_ =	swait.ge [sflag:s11], $0x1  }
0x7e: {  	[sflag:s11] =	ssyncset.done $0x0  }
0x7f: {  	[sflag:s11] =	ssyncadd.s32 $0xFFFFFFFF  }
0x80: {  	v3 =	vld [tilespmem:$0x600];
	_ =	sdelay $0x4  }
0x81: {  	v3 =	vmul.f32 v3, v3;
	_ =	sdelay $0x1  }
0x82: {  	v3 =	vbroadcast v3, $0x0;
	_ =	sdelay $0x1  }
0x83: {  	(erf) = vrcp.f32 v3;
	_ =	sdelay $0x5  }
0x84: {  	s14 =	simm.s32 $0x0  }
0x85: {  	v3 =	vld [tilespmem:s14+$0x400];
	_ =	sdelay $0x1  }
0x86: {  	v4 =	vpop (erf)  }
0x87: {  	s15 =	simm.s32 $0x10;
	v4 =	vmul.f32 $-5.000000000e-01, v4  }
0x88: {  	v5 =	vld [tilespmem:s15+$0x400]  }
0x89: {  	v3 =	vmul.f32 v3, v4;
	_ =	sdelay $0x1  }
0x8a: {  	v6 =	vmul.f32 $1.442695020e+00, v3;
	_ =	sdelay $0x1  }
0x8b: {  	v5 =	vmul.f32 v5, v4;
	(erf) = vpow2.f32 v6;
	_ =	sdelay $0x1  }
0x8c: {  	s16 =	simm.s32 $0x20;
	v7 =	vmul.f32 $1.442695020e+00, v5  }
0x8d: {  	v5 =	vld [tilespmem:s16+$0x400]  }
0x8e: {  	(erf) = vpow2.f32 v7  }
0x8f: {  	v3 =	vld.msk [tilespmem:$0x680 ss:$0x0], $0xffff;
	_ =	sdelay $0x1  }
0x90: {  	s17 =	simm.s32 $0xC0  }
.LBB2_2:
0x91: {  	s18 =	sshra.s32 s17, $0x2;
	p0 =	sne.s32 s17, $0x7C0;
	s17 =	sadd.s32 $0x40, s17;
	v6 =	vmul.f32 v5, v4  }
.Ltmp2:
0x92: {  	v5 =	vld [tilespmem:s18+$0x400];
	v7 =	vpop (erf);
	(pc) =	sbr.rel @p0 .LBB2_2-.Ltmp2, $3  }
0x93: {  	v6 =	vmul.f32 $1.442695020e+00, v6;
	v7 =	vmul.f32 v7, v3;
	_ =	sdelay $0x1  }
0x94: {  	(erf) = vpow2.f32 v6;
	[tilespmem:s14+$0x200] =	vst v7;
	s14 =	smov.u32 s15;
	s15 =	smov.u32 s16  }
0x95: {  	s16 =	smov.u32 s18  }
0x96: {  	v4 =	vmul.f32 v5, v4;
	_ =	sdelay $0x1  }
0x97: {  	v4 =	vmul.f32 $1.442695020e+00, v4;
	_ =	sdelay $0x1  }
0x98: {  	(erf) = vpow2.f32 v4;
	_ =	sdelay $0x6  }
0x99: {  	v62 =	vpop (erf)  }
.Ltmp3:
0x9a: {  	v4 =	vmul.f32 v62, v3;
	v63 =	vpop (erf);
	(pc) =	sbr.rel .LBB2_4-.Ltmp3, $4  }
0x9b: {  	v5 =	vmul.f32 v63, v3;
	v6 =	vpop (erf)  }
0x9c: {  	[tilespmem:s14+$0x200] =	vst v4;
	v3 =	vmul.f32 v6, v3  }
0x9d: {  	[tilespmem:s15+$0x200] =	vst v5  }
0x9e: {  	s14 =	simm.s32 $0x0;
	s15 =	simm.s32 $0x0;
	[tilespmem:s16+$0x200] =	vst v3  }
.LBB2_7:
0x9f: {  	_ =	swait.ge [sflag:s12], $0x2000  }
0xa0: {  	[sflag:s12] =	ssyncset.done $0x0  }
0xa1: {  	[sflag:s12] =	ssyncadd.s32 $0xFFFFE000  }
.LBB2_9:
0xa2: {  	s16 =	sadd.s32 $0x5, s15  }
0xa3: {  	s17 =	sshll.u32 s16, $0x4  }
0xa4: {  	s17 =	sand.u32 $0x3FFFFFF0, s17  }
0xa5: {  	v3 =	vld [tilespmem:s17+$0x0];
	_ =	sdelay $0x4  }
0xa6: {  	v4 =	vshll.u32 v3, $0x2  }
0xa7: {  	v3 =	vand.u32 $0x7, v3;
	v4 =	vand.u32 $0xFFFFFFE0, v4  }
0xa8: {  	s18 =	smulhi.u32 $0xAAAAAAAB, s16;
	v3 =	vor.u32 v3, v4  }
0xa9: {  	v4 =	vperm.xlane v3, v0  }
0xaa: {  	s17 =	sshrl.u32 s18, $0x2  }
0xab: {  	s17 =	smul.u32 $0x6, s17;
	v4 =	vadd.s32 v1, v4;
	_ =	sdelay $0x1  }
0xac: {  	s16 =	ssub.s32 s16, s17;
	v3 =	vperm.xlane v3, v2  }
0xad: {  	s16 =	sshll.u32 s16, $0xD  }
0xae: {  	s19 =	sor.u32 $0x700, s16;
	v3 =	vadd.s32 v1, v3  }
0xaf: {  	[tilespmem:s19], [sflag:$0x1] =	stream.indirect_vreg.gather [hbm4b:s2+s6], $0x80, v4, vm0, $0xb8;
	[tilespmem:$0xC700] =	vst v63  }
0xb0: {  	s20 =	sor.u32 $0xF00, s16  }
0xb1: {  	[tilespmem:s20], [sflag:$0x1] =	stream.indirect_vreg.gather [hbm4b:s8+s6], $0x80, v4, vm0, $0xb8;
	[tilespmem:$0xC700] =	vst v63  }
0xb2: {  	s21 =	sor.u32 $0x1700, s16  }
0xb3: {  	[tilespmem:s21], [sflag:$0x1] =	stream.indirect_vreg.gather [hbm4b:s2+s6], $0x80, v3, vm0, $0xb8;
	[tilespmem:$0xC700] =	vst v63  }
0xb4: {  	s16 =	sor.u32 $0x1F00, s16  }
0xb5: {  	[tilespmem:s16], [sflag:$0x1] =	stream.indirect_vreg.gather [hbm4b:s8+s6], $0x80, v3, vm0, $0xb8;
	[tilespmem:$0xC700] =	vst v63  }
.LBB2_10:
0xb6: {  	s15 =	sadd.s32 $0x1, s15  }
0xb7: {  	p0 =	sne.s32 s15, $0x20  }
.Ltmp4:
0xb8: {  	_ = 	snop;
	(pc) =	sbr.rel @!p0 .LBB2_11-.Ltmp4, $1  }
0xb9: {  	_ =	sdelay $0x3  }
.LBB2_4:
0xba: {  	_ =	swait.ge [sflag:s5], $0x2000  }
0xbb: {  	[sflag:s5] =	ssyncset.done $0x0  }
0xbc: {  	[sflag:s5] =	ssyncadd.s32 $0xFFFFE000  }
0xbd: {  	v3 =	vld [tilespmem:$0x200]  }
0xbe: {  	v4 =	vld [tilespmem:$0x210]  }
0xbf: {  	v5 =	vld [tilespmem:$0x220]  }
0xc0: {  	v6 =	vld [tilespmem:$0x230]  }
0xc1: {  	v7 =	vld [tilespmem:$0x240]  }
0xc2: {  	v8 =	vld [tilespmem:$0x250]  }
0xc3: {  	v9 =	vld [tilespmem:$0x260]  }
0xc4: {  	v10 =	vld [tilespmem:$0x270]  }
0xc5: {  	v11 =	vld [tilespmem:$0x280]  }
0xc6: {  	v12 =	vld [tilespmem:$0x290]  }
0xc7: {  	v13 =	vld [tilespmem:$0x2A0]  }
0xc8: {  	v14 =	vld [tilespmem:$0x2B0]  }
0xc9: {  	v15 =	vld [tilespmem:$0x2C0]  }
0xca: {  	v16 =	vld [tilespmem:$0x2D0]  }
0xcb: {  	v17 =	vld [tilespmem:$0x2E0]  }
0xcc: {  	v18 =	vld [tilespmem:$0x2F0]  }
0xcd: {  	v19 =	vld [tilespmem:$0x300]  }
0xce: {  	v20 =	vld [tilespmem:$0x310]  }
0xcf: {  	v21 =	vld [tilespmem:$0x320]  }
0xd0: {  	v22 =	vld [tilespmem:$0x330]  }
0xd1: {  	s16 =	smul.u32 $0xAB, s15;
	v25 =	vld [tilespmem:$0x340]  }
0xd2: {  	v28 =	vld [tilespmem:$0x350]  }
0xd3: {  	s16 =	sshrl.u32 s16, $0xA;
	v32 =	vld [tilespmem:$0x360]  }
0xd4: {  	s16 =	sand.u32 $0x3F, s16;
	v34 =	vld [tilespmem:$0x370]  }
0xd5: {  	v33 =	vld [tilespmem:$0x380];
	s16 =	smul.u32 $0x6, s16  }
0xd6: {  	v31 =	vld [tilespmem:$0x390]  }
0xd7: {  	v29 =	vld [tilespmem:$0x3A0];
	s16 =	ssub.s32 s15, s16  }
0xd8: {  	v26 =	vld [tilespmem:$0x3B0];
	s16 =	sand.u32 $0xFF, s16  }
0xd9: {  	v23 =	vld [tilespmem:$0x3C0];
	s16 =	sshll.u32 s16, $0xD  }
0xda: {  	s17 =	sand.u32 $0x1000, s14;
	v24 =	vld [tilespmem:$0x3D0];
	s16 =	sor.u32 $0x700, s16  }
0xdb: {  	s18 =	sand.u32 $0x380, s14;
	v27 =	vld [tilespmem:$0x3E0];
	s17 =	sadd.s32 s17, s16  }
0xdc: {  	v30 =	vld [tilespmem:$0x3F0];
	s17 =	sadd.s32 s18, s17  }
0xdd: {  	v35 =	vld [tilespmem:s17+$0x0]  }
0xde: {  	v36 =	vld [tilespmem:s17+$0x10]  }
0xdf: {  	v37 =	vld [tilespmem:s17+$0x20]  }
0xe0: {  	v38 =	vld [tilespmem:s17+$0x30]  }
0xe1: {  	v39 =	vld [tilespmem:s17+$0x40]  }
0xe2: {  	v40 =	vld [tilespmem:s17+$0x50];
	v35 =	vmul.f32 v35, v3  }
0xe3: {  	v41 =	vld [tilespmem:s17+$0x60];
	v36 =	vmul.f32 v36, v4  }
0xe4: {  	v49 =	vld [tilespmem:s17+$0x70];
	v48 =	vmul.f32 v37, v5;
	[tilespmem:s17+$0x0] =	vst v35  }
0xe5: {  	v51 =	vld [tilespmem:s17+$0x400];
	v50 =	vmul.f32 v38, v6;
	[tilespmem:s17+$0x10] =	vst v36  }
0xe6: {  	v53 =	vld [tilespmem:s17+$0x410];
	v52 =	vmul.f32 v39, v7;
	[tilespmem:s17+$0x20] =	vst v48  }
0xe7: {  	v55 =	vld [tilespmem:s17+$0x420];
	v54 =	vmul.f32 v40, v8;
	[tilespmem:s17+$0x30] =	vst v50  }
0xe8: {  	v57 =	vld [tilespmem:s17+$0x430];
	v56 =	vmul.f32 v41, v9;
	[tilespmem:s17+$0x40] =	vst v52  }
0xe9: {  	v59 =	vld [tilespmem:s17+$0x440];
	v58 =	vmul.f32 v49, v10;
	[tilespmem:s17+$0x50] =	vst v54  }
0xea: {  	v61 =	vld [tilespmem:s17+$0x450];
	v60 =	vmul.f32 v51, v11;
	[tilespmem:s17+$0x60] =	vst v56  }
0xeb: {  	v63 =	vld [tilespmem:s17+$0x460];
	v62 =	vmul.f32 v53, v12;
	[tilespmem:s17+$0x70] =	vst v58  }
0xec: {  	v45 =	vld [tilespmem:s17+$0x470];
	v44 =	vmul.f32 v55, v13;
	[tilespmem:s17+$0x400] =	vst v60  }
0xed: {  	v47 =	vld [tilespmem:s17+$0x800];
	v46 =	vmul.f32 v57, v14;
	[tilespmem:s17+$0x410] =	vst v62  }
0xee: {  	v49 =	vld [tilespmem:s17+$0x810];
	[tilespmem:s17+$0x420] =	vst v44;
	v48 =	vmul.f32 v59, v15  }
0xef: {  	v51 =	vld [tilespmem:s17+$0x820];
	[tilespmem:s17+$0x430] =	vst v46;
	v50 =	vmul.f32 v61, v16  }
0xf0: {  	v53 =	vld [tilespmem:s17+$0x830];
	v52 =	vmul.f32 v63, v17;
	[tilespmem:s17+$0x440] =	vst v48  }
0xf1: {  	v55 =	vld [tilespmem:s17+$0x840];
	v54 =	vmul.f32 v45, v18;
	[tilespmem:s17+$0x450] =	vst v50  }
0xf2: {  	v57 =	vld [tilespmem:s17+$0x850];
	v56 =	vmul.f32 v47, v19;
	[tilespmem:s17+$0x460] =	vst v52  }
0xf3: {  	v59 =	vld [tilespmem:s17+$0x860];
	[tilespmem:s17+$0x470] =	vst v54;
	v58 =	vmul.f32 v49, v20  }
0xf4: {  	v42 =	vld [tilespmem:s17+$0x870];
	[tilespmem:s17+$0x800] =	vst v56;
	v60 =	vmul.f32 v51, v21  }
0xf5: {  	v39 =	vld [tilespmem:s17+$0xC00];
	v61 =	vmul.f32 v53, v22;
	[tilespmem:s17+$0x810] =	vst v58  }
0xf6: {  	v38 =	vld [tilespmem:s17+$0xC10];
	v62 =	vmul.f32 v55, v25;
	[tilespmem:s17+$0x820] =	vst v60  }
0xf7: {  	v36 =	vld [tilespmem:s17+$0xC20];
	v63 =	vmul.f32 v57, v28;
	[tilespmem:s17+$0x830] =	vst v61  }
0xf8: {  	v35 =	vld [tilespmem:s17+$0xC30];
	[tilespmem:s17+$0x840] =	vst v62;
	v41 =	vmul.f32 v59, v32  }
0xf9: {  	s19 =	simm.s32 $0x0;
	s18 =	simm.s32 $0x200;
	v40 =	vmul.f32 v42, v34;
	v37 =	vld [tilespmem:s17+$0xC40];
	[tilespmem:s17+$0x850] =	vst v63  }
.LBB2_5:
0xfa: {  	s20 =	sand.u32 $0x1000, s18;
	p0 =	sne.s32 s18, $0x1E00;
	[tilespmem:s17+$0x860] =	vst v41;
	v39 =	vmul.f32 v39, v33;
	v41 =	vld [tilespmem:s17+$0xC50];
	s19 =	sadd.s32 $0x80, s19  }
0xfb: {  	s21 =	sand.u32 $0x380, s19;
	s20 =	sadd.s32 s20, s16;
	[tilespmem:s17+$0x870] =	vst v40;
	v38 =	vmul.f32 v38, v31;
	v40 =	vld [tilespmem:s17+$0xC60]  }
0xfc: {  	s20 =	sadd.s32 s21, s20;
	[tilespmem:s17+$0xC00] =	vst v39;
	v36 =	vmul.f32 v36, v29;
	v39 =	vld [tilespmem:s17+$0xC70]  }
0xfd: {  	v42 =	vld [tilespmem:s20+$0x0];
	[tilespmem:s17+$0xC10] =	vst v38;
	v35 =	vmul.f32 v35, v26  }
0xfe: {  	v38 =	vld [tilespmem:s20+$0x10];
	[tilespmem:s17+$0xC20] =	vst v36;
	v36 =	vmul.f32 v37, v23  }
0xff: {  	v37 =	vld [tilespmem:s20+$0x20];
	[tilespmem:s17+$0xC30] =	vst v35;
	v35 =	vmul.f32 v41, v24  }
0x100: {  	v41 =	vld [tilespmem:s20+$0x30];
	[tilespmem:s17+$0xC40] =	vst v36;
	v36 =	vmul.f32 v40, v27  }
0x101: {  	v40 =	vld [tilespmem:s20+$0x40];
	[tilespmem:s17+$0xC50] =	vst v35;
	v35 =	vmul.f32 v39, v30  }
0x102: {  	v39 =	vmul.f32 v42, v3;
	v42 =	vld [tilespmem:s20+$0x50];
	[tilespmem:s17+$0xC60] =	vst v36  }
0x103: {  	v36 =	vmul.f32 v38, v4;
	v38 =	vld [tilespmem:s20+$0x60];
	[tilespmem:s17+$0xC70] =	vst v35;
	s17 =	smov.u32 s20  }
0x104: {  	[tilespmem:s17+$0x0] =	vst v39;
	v35 =	vmul.f32 v37, v5;
	v37 =	vld [tilespmem:s17+$0x70]  }
0x105: {  	[tilespmem:s17+$0x10] =	vst v36;
	v36 =	vmul.f32 v41, v6;
	v39 =	vld [tilespmem:s17+$0x400]  }
0x106: {  	[tilespmem:s17+$0x20] =	vst v35;
	v35 =	vmul.f32 v40, v7;
	v40 =	vld [tilespmem:s17+$0x410]  }
0x107: {  	[tilespmem:s17+$0x30] =	vst v36;
	v36 =	vmul.f32 v42, v8;
	v41 =	vld [tilespmem:s17+$0x420]  }
0x108: {  	[tilespmem:s17+$0x40] =	vst v35;
	v35 =	vmul.f32 v38, v9;
	v38 =	vld [tilespmem:s17+$0x430]  }
0x109: {  	[tilespmem:s17+$0x50] =	vst v36;
	v36 =	vmul.f32 v37, v10;
	v37 =	vld [tilespmem:s17+$0x440]  }
0x10a: {  	[tilespmem:s17+$0x60] =	vst v35;
	v35 =	vmul.f32 v39, v11;
	v39 =	vld [tilespmem:s17+$0x450]  }
0x10b: {  	[tilespmem:s17+$0x70] =	vst v36;
	v36 =	vmul.f32 v40, v12;
	v40 =	vld [tilespmem:s17+$0x460]  }
0x10c: {  	[tilespmem:s17+$0x400] =	vst v35;
	v35 =	vmul.f32 v41, v13;
	v41 =	vld [tilespmem:s17+$0x470]  }
0x10d: {  	[tilespmem:s17+$0x410] =	vst v36;
	v36 =	vmul.f32 v38, v14;
	v38 =	vld [tilespmem:s17+$0x800]  }
0x10e: {  	[tilespmem:s17+$0x420] =	vst v35;
	v35 =	vmul.f32 v37, v15;
	v37 =	vld [tilespmem:s17+$0x810]  }
0x10f: {  	[tilespmem:s17+$0x430] =	vst v36;
	v36 =	vmul.f32 v39, v16;
	v39 =	vld [tilespmem:s17+$0x820]  }
0x110: {  	[tilespmem:s17+$0x440] =	vst v35;
	v35 =	vmul.f32 v40, v17;
	v40 =	vld [tilespmem:s17+$0x830]  }
0x111: {  	[tilespmem:s17+$0x450] =	vst v36;
	v36 =	vmul.f32 v41, v18;
	v41 =	vld [tilespmem:s17+$0x840]  }
0x112: {  	[tilespmem:s17+$0x460] =	vst v35;
	v35 =	vmul.f32 v38, v19;
	v42 =	vld [tilespmem:s17+$0x850]  }
0x113: {  	[tilespmem:s17+$0x470] =	vst v36;
	v36 =	vmul.f32 v37, v20;
	v37 =	vld [tilespmem:s17+$0x860]  }
0x114: {  	[tilespmem:s17+$0x800] =	vst v35;
	v35 =	vmul.f32 v39, v21;
	v43 =	vld [tilespmem:s17+$0x870]  }
.Ltmp5:
0x115: {  	[tilespmem:s17+$0x810] =	vst v36;
	v36 =	vmul.f32 v40, v22;
	v39 =	vld [tilespmem:s17+$0xC00];
	(pc) =	sbr.rel @p0 .LBB2_5-.Ltmp5, $4  }
0x116: {  	[tilespmem:s17+$0x820] =	vst v35;
	v35 =	vmul.f32 v41, v25;
	v38 =	vld [tilespmem:s17+$0xC10]  }
0x117: {  	[tilespmem:s17+$0x830] =	vst v36;
	v40 =	vmul.f32 v42, v28;
	v36 =	vld [tilespmem:s17+$0xC20]  }
0x118: {  	[tilespmem:s17+$0x840] =	vst v35;
	v41 =	vmul.f32 v37, v32;
	v35 =	vld [tilespmem:s17+$0xC30]  }
0x119: {  	s18 =	sadd.s32 $0x200, s18;
	[tilespmem:s17+$0x850] =	vst v40;
	v40 =	vmul.f32 v43, v34;
	v37 =	vld [tilespmem:s17+$0xC40]  }
0x11a: {  	[tilespmem:s17+$0x860] =	vst v41;
	v3 =	vmul.f32 v39, v33;
	v4 =	vld [tilespmem:s17+$0xC50]  }
0x11b: {  	v7 =	vld [tilespmem:s17+$0xC70];
	[tilespmem:s17+$0x870] =	vst v40;
	v5 =	vmul.f32 v38, v31  }
0x11c: {  	v6 =	vld [tilespmem:s17+$0xC60];
	[tilespmem:s17+$0xC00] =	vst v3;
	v3 =	vmul.f32 v36, v29  }
0x11d: {  	[tilespmem:s17+$0xC10] =	vst v5;
	v62 =	vmul.f32 v35, v26  }
0x11e: {  	s21 =	sadd.s32 $0xFFFFFFFF, s15;
	[tilespmem:s17+$0xC20] =	vst v3;
	v3 =	vmul.f32 v37, v23  }
0x11f: {  	p0 =	sgt.u32 s21, $0x19;
	[tilespmem:s17+$0xC30] =	vst v62;
	v4 =	vmul.f32 v4, v24  }
.Ltmp6:
0x120: {  	v63 =	vmul.f32 v7, v30;
	[tilespmem:s17+$0xC40] =	vst v3;
	(pc) =	sbr.rel @!p0 .LBB2_7-.Ltmp6, $4  }
0x121: {  	v3 =	vmul.f32 v6, v27;
	[tilespmem:s17+$0xC50] =	vst v4  }
0x122: {  	s18 =	sshll.u32 s15, $0xA;
	[tilespmem:s17+$0xC70] =	vst v63  }
0x123: {  	s20 =	sadd.s32 s18, s9;
	[tilespmem:s17+$0xC60] =	vst v3  }
0x124: {  	[hbm4b:s20+s6] =	stream.linear.scatter [tilespmem:s16], [sflag:$0x2], $0x2000, $0x38;
	[tilespmem:$0xC700] =	vst v63  }
0x125: {  	p0 =	sgt.u32 s15, $0x1A  }
.Ltmp7:
0x126: {  	_ = 	snop;
	(pc) =	sbr.rel @p0 .LBB2_10-.Ltmp7, $4  }
.Ltmp8:
0x127: {  	_ = 	snop;
	(pc) =	sbr.rel @!p0 .LBB2_9-.Ltmp8, $4  }
0x128: {  	_ = 	snop  }
0x129: {  	_ = 	snop  }
0x12a: {  	_ = 	snop  }
0x12b: {  	_ = 	snop  }
.LBB2_12:
0x12c: {  	_ =	sfence.sel $0x180000  }
0x12d: {  	[bflag:$0x0] =	sbarrier.arrive $0xFFFF  }
0x12e: {  	_ =	strace $0x90000047  }
0x12f: {  	s0 =	stileid.u32;
	[bflag:$0x2] =	sbarrier.arrive $0xFFFF  }
0x130: {  	p0 =	sne.s32 s0, $0x0;
	s0 =	rddreg [dreg:$0x6]  }
0x131: {  	s0 =	sadd.s32 @!p0 $0x100000, s0  }
0x132: {  	[sflag:s0] =	ssyncadd.tile.s32 @!p0 $0x1;
	_ =	shalt  }
.Lfunc_end2:
_tile_overlayer_lowered:
.L_overlay_start_2:
0x133: {  	(tag) =	ssettag $0x2  }
0x134: {  	s0 =	rddreg [dreg:$0x0];
	s2 =	stileid.u32  }
0x135: {  	s1 =	rddreg [dreg:$0x1];
	p0 =	sne.s32 s2, $0x0  }
0x136: {  	s3 =	rddreg [dreg:$0x2];
	[bflag:$0x3] =	sbarrier.arrive $0xFFFF;
	s2 =	simm.s32 @!p0 $0x1C03  }
0x137: {  	[timem:s3], [sflag:s2] =	dma.local @!p0 [hbm:s0], s1  }
0x138: {  	s0 =	simm.s32 @!p0 $0x3  }
0x139: {  	_ =	swait.ge @!p0 [sflag:s0], s1  }
0x13a: {  	s1 =	ssub.s32 @!p0 $0x0, s1;
	[sflag:s0] =	ssyncset.done @!p0 $0x0  }
0x13b: {  	[sflag:s0] =	ssyncadd.s32 @!p0 s1  }
0x13c: {  	[bflag:$0x3] =	sbarrier.arrive $0xFFFF  }
0x13d: {  	_ =	shalt  }

</sc_bundles>
